<compile_context>
chip_gen: v7x
topology: tpu7x:2x2x1
jax: 0.10.2.dev20260603
libtpu: 0.0.44.dev20260713+nightly
codegen_flags: <defaults>
</compile_context>

<pallas_src>
import functools

import jax
import jax.numpy as jnp
from jax import lax
from jax.experimental import pallas as pl
from jax.experimental.pallas import tpu as pltpu
from jax.experimental.pallas import tpu_sc as plsc

NUM_ROWS = 65536
NUM_COLS = 65536
NNZ = 4194304

NW = 32
EPW = NNZ // NW
EPW_SHIFT = 17
CH = 8192
NCHUNK = EPW // CH
G = CH // 16
RPW = NUM_ROWS // NW
PTR_TILE = RPW + 128
PTR_PAD = NUM_ROWS + 128

_mesh = plsc.VectorSubcoreMesh(core_axis_name="c", subcore_axis_name="s")


def _wid():
    return lax.axis_index("s") * 2 + lax.axis_index("c")


@functools.partial(
    pl.kernel,
    mesh=_mesh,
    compiler_params=pltpu.CompilerParams(needs_layout_passes=False),
    out_type=[
        jax.ShapeDtypeStruct((NNZ,), jnp.float32),
        jax.ShapeDtypeStruct((NW * 16,), jnp.float32),
    ],
    scratch_types=[
        pltpu.VMEM((NUM_COLS,), jnp.float32),
        pltpu.VMEM((CH,), jnp.float32),
        pltpu.VMEM((CH,), jnp.uint32),
        pltpu.VMEM((CH,), jnp.float32),
        pltpu.VMEM((CH,), jnp.uint32),
        pltpu.VMEM((CH,), jnp.float32),
        pltpu.VMEM((CH,), jnp.float32),
        pltpu.VMEM((16,), jnp.float32),
        pltpu.SemaphoreType.DMA,
        pltpu.SemaphoreType.DMA,
        pltpu.SemaphoreType.DMA,
        pltpu.SemaphoreType.DMA,
    ],
)
def _phase1(values_hbm, cols_hbm, x_hbm, p_hbm, tot_hbm,
            x_v, vals_a, cols_a, vals_b, cols_b, out_a, out_b, stage_v,
            sem_ia, sem_ib, sem_oa, sem_ob):
    wid = _wid()
    base = wid * jnp.int32(EPW)
    lane15 = jnp.full((16, 1), 15, jnp.int32)
    bcast_dnums = lax.GatherDimensionNumbers(
        offset_dims=(), collapsed_slice_dims=(0,), start_index_map=(0,))

    def start_in(c, vv, cv, sem):
        off = base + c * jnp.int32(CH)
        pltpu.async_copy(values_hbm.at[pl.ds(off, CH)], vv, sem)
        pltpu.async_copy(cols_hbm.at[pl.ds(off, CH)], cv, sem)

    def wait_in(vv, cv, sem):
        pltpu.make_async_copy(values_hbm.at[pl.ds(0, CH)], vv, sem).wait()
        pltpu.make_async_copy(cols_hbm.at[pl.ds(0, CH)], cv, sem).wait()

    def wait_out(ov, sem):
        pltpu.make_async_copy(ov, p_hbm.at[pl.ds(0, CH)], sem).wait()

    start_in(jnp.int32(0), vals_a, cols_a, sem_ia)
    start_in(jnp.int32(1), vals_b, cols_b, sem_ib)
    pltpu.sync_copy(x_hbm, x_v)

    def compute(vv, cv, ov, cin):
        @plsc.parallel_loop(jnp.int32(0), jnp.int32(G), step=jnp.int32(1), unroll=8, carry=cin)
        def group_body(g, cv16):
            gg = g * jnp.int32(16)
            cols16 = plsc.bitcast(cv[pl.ds(gg, 16)], jnp.int32)
            vals16 = vv[pl.ds(gg, 16)]
            prod = plsc.load_gather(x_v, [cols16]) * vals16
            pc = plsc.cumsum(prod)
            ov[pl.ds(gg, 16)] = pc + cv16
            last = lax.gather(
                pc, lane15, bcast_dnums, slice_sizes=(1,),
                mode=lax.GatherScatterMode.PROMISE_IN_BOUNDS)
            return cv16 + last
        return group_body

    @pl.loop(jnp.int32(0), jnp.int32(NCHUNK), step=jnp.int32(2),
             init_carry=jnp.zeros((16,), jnp.float32))
    def chunk_pair(c, carry_v):
        @pl.when(c > jnp.int32(0))
        def _():
            wait_out(out_a, sem_oa)
        wait_in(vals_a, cols_a, sem_ia)
        carry_v = compute(vals_a, cols_a, out_a, carry_v)

        @pl.when(c + jnp.int32(2) < jnp.int32(NCHUNK))
        def _():
            start_in(c + jnp.int32(2), vals_a, cols_a, sem_ia)
        pltpu.async_copy(out_a, p_hbm.at[pl.ds(base + c * jnp.int32(CH), CH)],
                         sem_oa)

        @pl.when(c > jnp.int32(0))
        def _():
            wait_out(out_b, sem_ob)
        wait_in(vals_b, cols_b, sem_ib)
        carry_v = compute(vals_b, cols_b, out_b, carry_v)

        @pl.when(c + jnp.int32(3) < jnp.int32(NCHUNK))
        def _():
            start_in(c + jnp.int32(3), vals_b, cols_b, sem_ib)
        pltpu.async_copy(out_b,
                         p_hbm.at[pl.ds(base + (c + jnp.int32(1)) * jnp.int32(CH),
                                        CH)], sem_ob)
        return carry_v

    wait_out(out_a, sem_oa)
    wait_out(out_b, sem_ob)
    stage_v[...] = chunk_pair
    pltpu.sync_copy(stage_v, tot_hbm.at[pl.ds(wid * jnp.int32(16), 16)])


@functools.partial(
    pl.kernel,
    mesh=_mesh,
    compiler_params=pltpu.CompilerParams(needs_layout_passes=False),
    out_type=jax.ShapeDtypeStruct((NUM_ROWS,), jnp.float32),
    scratch_types=[
        pltpu.VMEM((PTR_TILE,), jnp.uint32),
        pltpu.VMEM((PTR_TILE,), jnp.int32),
        pltpu.VMEM((PTR_TILE,), jnp.float32),
        pltpu.VMEM((NW * 16,), jnp.float32),
        pltpu.VMEM((NW,), jnp.float32),
        pltpu.VMEM((RPW,), jnp.float32),
        pltpu.SemaphoreType.DMA,
    ],
)
def _phase2(ptr_hbm, p_hbm, tot_hbm, y_hbm,
            ptr_v, pm1_v, pv_v, tot_v, c_v, y_v, sem):
    wid = _wid()
    rbase = wid * jnp.int32(RPW)
    pltpu.sync_copy(ptr_hbm.at[pl.ds(rbase, PTR_TILE)], ptr_v)
    pltpu.sync_copy(tot_hbm, tot_v)

    idx0 = lax.iota(jnp.int32, 16) * jnp.int32(16)
    t0 = plsc.load_gather(tot_v, [idx0])
    t1 = plsc.load_gather(tot_v, [idx0 + jnp.int32(256)])
    c_v[pl.ds(0, 16)] = plsc.cumsum(t0) - t0
    c_v[pl.ds(16, 16)] = plsc.cumsum(t1) - t1 + jnp.sum(t0)

    def pm1_body(k, _):
        kk = k * jnp.int32(16)
        p16 = plsc.bitcast(ptr_v[pl.ds(kk, 16)], jnp.int32)
        pm1_v[pl.ds(kk, 16)] = jnp.maximum(p16 - jnp.int32(1), jnp.int32(0))
        return jnp.int32(0)

    lax.fori_loop(jnp.int32(0), jnp.int32(PTR_TILE // 16), pm1_body,
                  jnp.int32(0))

    def gather_body(b, _):
        pltpu.async_copy(p_hbm.at[pm1_v.at[pl.ds(b * jnp.int32(128), 128)]],
                         pv_v.at[pl.ds(b * jnp.int32(128), 128)], sem)
        return jnp.int32(0)

    lax.fori_loop(jnp.int32(0), jnp.int32(PTR_TILE // 128), gather_body,
                  jnp.int32(0))

    def drain_body(b, _):
        pltpu.make_async_copy(
            p_hbm.at[pm1_v.at[pl.ds(b * jnp.int32(128), 128)]],
            pv_v.at[pl.ds(b * jnp.int32(128), 128)], sem).wait()
        return jnp.int32(0)

    lax.fori_loop(jnp.int32(0), jnp.int32(PTR_TILE // 128), drain_body,
                  jnp.int32(0))

    zero = jnp.zeros((16,), jnp.float32)
    sh = jnp.int32(EPW_SHIFT)

    def row_body(k, _):
        kk = k * jnp.int32(16)
        s16 = plsc.bitcast(ptr_v[pl.ds(kk, 16)], jnp.int32)
        e16 = plsc.bitcast(ptr_v[pl.ds(kk + jnp.int32(1), 16)], jnp.int32)
        ps = pv_v[pl.ds(kk, 16)]
        pe = pv_v[pl.ds(kk + jnp.int32(1), 16)]
        sm1 = jnp.maximum(s16 - jnp.int32(1), jnp.int32(0))
        em1 = jnp.maximum(e16 - jnp.int32(1), jnp.int32(0))
        cs = plsc.load_gather(c_v, [lax.shift_right_logical(sm1, sh)])
        ce = plsc.load_gather(c_v, [lax.shift_right_logical(em1, sh)])
        es = jnp.where(s16 > jnp.int32(0), ps + cs, zero)
        ee = jnp.where(e16 > jnp.int32(0), pe + ce, zero)
        y_v[pl.ds(kk, 16)] = ee - es
        return jnp.int32(0)

    lax.fori_loop(jnp.int32(0), jnp.int32(RPW // 16), row_body, jnp.int32(0))

    pltpu.sync_copy(y_v, y_hbm.at[pl.ds(rbase, RPW)])


def kernel(values, col_indices, row_ptrs, x):
    values = values.astype(jnp.float32)
    x = x.astype(jnp.float32)
    cols32 = col_indices.astype(jnp.uint32)
    ptr32 = row_ptrs.astype(jnp.uint32)
    ptr_pad = jnp.concatenate(
        [ptr32, jnp.broadcast_to(ptr32[-1], (PTR_PAD - (NUM_ROWS + 1),))])
    p, tot = _phase1(values, cols32, x)
    return _phase2(ptr_pad, p, tot)

# --- scband reference (transcript-rebuilt; emitter-appended) ---
"""Pipeline reference for scband-model-15307263443708 (READ-ONLY COPY).

The authoritative reference and input builder live on the scoring server;
editing this copy changes nothing except your own understanding.
"""

import jax, jax.numpy as jnp
import numpy as np
jax.config.update("jax_enable_x64", True)

NUM_ROWS = 65536
NUM_COLS = 65536
NNZ = 4194304

def setup_inputs(seed: int = 0) -> dict:
    key = jax.random.key(seed)
    k1, k2, k3, k4 = jax.random.split(key, 4)
    values = jax.random.normal(k1, (NNZ,), dtype=jnp.float32)
    col_indices = jax.random.randint(k2, (NNZ,), 0, NUM_COLS, dtype=jnp.int64)
    row_ptrs = jnp.sort(jax.random.randint(k3, (NUM_ROWS + 1,), 0, NNZ, dtype=jnp.int64))
    x = jax.random.normal(k4, (NUM_COLS,), dtype=jnp.float32)
    return {"values": values, "col_indices": col_indices, "row_ptrs": row_ptrs, "x": x}

def reference(values, col_indices, row_ptrs, x):
    # CSR SpMV: y[i] = sum_{j in [row_ptrs[i], row_ptrs[i+1])} values[j] * x[col_indices[j]]
    nnz = values.shape[0]
    pos = jnp.arange(nnz, dtype=row_ptrs.dtype)
    # Map each nonzero position to its owning row. With duplicated row_ptrs
    # (empty rows), side='right' assigns the element to the last row whose
    # start equals that position, matching the torch slice semantics.
    ids_raw = jnp.searchsorted(row_ptrs, pos, side='right') - 1
    valid = (ids_raw >= 0) & (ids_raw < NUM_ROWS)
    ids = jnp.clip(ids_raw, 0, NUM_ROWS - 1)
    contrib = jnp.where(valid, values * jnp.take(x, col_indices, axis=0), jnp.float32(0.0))
    y = jax.ops.segment_sum(contrib, ids, num_segments=NUM_ROWS)
    return y

if __name__ == "__main__":
    import jax
    _d = setup_inputs()
    print(jax.jit(kernel)(*tuple(_d.values())))

</pallas_src>

<mosaic_0001>
#map = affine_map<(d0, d1) -> (0)>
module attributes {stable_mosaic.version = 14 : i64} {
  func.func @_phase1(%arg0: i32, %arg1: i32, %arg2: memref<4194304xf32, #tpu.memory_space<hbm>>, %arg3: memref<4194304xi32, #tpu.memory_space<hbm>>, %arg4: memref<65536xf32, #tpu.memory_space<hbm>>, %arg5: memref<4194304xf32, #tpu.memory_space<hbm>>, %arg6: memref<512xf32, #tpu.memory_space<hbm>>, %arg7: memref<65536xf32, #tpu.memory_space<vmem>>, %arg8: memref<8192xf32, #tpu.memory_space<vmem>>, %arg9: memref<8192xi32, #tpu.memory_space<vmem>>, %arg10: memref<8192xf32, #tpu.memory_space<vmem>>, %arg11: memref<8192xi32, #tpu.memory_space<vmem>>, %arg12: memref<8192xf32, #tpu.memory_space<vmem>>, %arg13: memref<8192xf32, #tpu.memory_space<vmem>>, %arg14: memref<16xf32, #tpu.memory_space<vmem>>, %arg15: memref<!tpu.dma_semaphore, #tpu.memory_space<semaphore_mem>>, %arg16: memref<!tpu.dma_semaphore, #tpu.memory_space<semaphore_mem>>, %arg17: memref<!tpu.dma_semaphore, #tpu.memory_space<semaphore_mem>>, %arg18: memref<!tpu.dma_semaphore, #tpu.memory_space<semaphore_mem>>) attributes {dimension_semantics = [#tpu.dimension_semantics<core_parallel>, #tpu.dimension_semantics<subcore_parallel>], iteration_bounds = array<i64: 2, 16>, scalar_prefetch = 0 : i64, scratch_operands = 12 : i64, tpu.core_type = #tpu.core_type<sc_vector_subcore>, window_params = [{transform_indices = #map}, {transform_indices = #map}, {transform_indices = #map}, {transform_indices = #map}, {transform_indices = #map}]} {
    %mul3A = arith.constant 2 : i32
    %mul3A_0 = arith.muli %arg1, %mul3A : i32
    %add3A = arith.addi %mul3A_0, %arg0 : i32
    %mul3A_1 = arith.constant 131072 : i32
    %mul3A_2 = arith.muli %add3A, %mul3A_1 : i32
    %broadcast_in_dim3A = arith.constant 15 : i32
    %broadcast_in_dim3A_3 = vector.broadcast %broadcast_in_dim3A : i32 to vector<16x1xi32>
    %mul3A_4 = arith.constant 0 : i32
    %mul3A_5 = arith.constant 8192 : i32
    %mul3A_6 = arith.muli %mul3A_4, %mul3A_5 : i32
    %add3A_7 = arith.addi %mul3A_2, %mul3A_6 : i32
    %dma_start3A = tpu.memref_slice %arg2[%add3A_7] : memref<4194304xf32, #tpu.memory_space<hbm>> -> memref<8192xf32, #tpu.memory_space<hbm>>
    %dma_start3A_8 = tpu.memref_slice %arg2[%add3A_7] : memref<4194304xf32, #tpu.memory_space<hbm>> -> memref<8192xf32, #tpu.memory_space<hbm>>
    tpu.enqueue_dma source(%dma_start3A_8 : memref<8192xf32, #tpu.memory_space<hbm>>) target(%arg8 : memref<8192xf32, #tpu.memory_space<vmem>>) target_semaphore(%arg15 : memref<!tpu.dma_semaphore, #tpu.memory_space<semaphore_mem>>)
    %dma_start3A_9 = tpu.memref_slice %arg3[%add3A_7] : memref<4194304xi32, #tpu.memory_space<hbm>> -> memref<8192xi32, #tpu.memory_space<hbm>>
    %dma_start3A_10 = tpu.memref_slice %arg3[%add3A_7] : memref<4194304xi32, #tpu.memory_space<hbm>> -> memref<8192xi32, #tpu.memory_space<hbm>>
    tpu.enqueue_dma source(%dma_start3A_10 : memref<8192xi32, #tpu.memory_space<hbm>>) target(%arg9 : memref<8192xi32, #tpu.memory_space<vmem>>) target_semaphore(%arg15 : memref<!tpu.dma_semaphore, #tpu.memory_space<semaphore_mem>>)
    %mul3A_11 = arith.constant 1 : i32
    %mul3A_12 = arith.constant 8192 : i32
    %mul3A_13 = arith.muli %mul3A_11, %mul3A_12 : i32
    %add3A_14 = arith.addi %mul3A_2, %mul3A_13 : i32
    %dma_start3A_15 = tpu.memref_slice %arg2[%add3A_14] : memref<4194304xf32, #tpu.memory_space<hbm>> -> memref<8192xf32, #tpu.memory_space<hbm>>
    %dma_start3A_16 = tpu.memref_slice %arg2[%add3A_14] : memref<4194304xf32, #tpu.memory_space<hbm>> -> memref<8192xf32, #tpu.memory_space<hbm>>
    tpu.enqueue_dma source(%dma_start3A_16 : memref<8192xf32, #tpu.memory_space<hbm>>) target(%arg10 : memref<8192xf32, #tpu.memory_space<vmem>>) target_semaphore(%arg16 : memref<!tpu.dma_semaphore, #tpu.memory_space<semaphore_mem>>)
    %dma_start3A_17 = tpu.memref_slice %arg3[%add3A_14] : memref<4194304xi32, #tpu.memory_space<hbm>> -> memref<8192xi32, #tpu.memory_space<hbm>>
    %dma_start3A_18 = tpu.memref_slice %arg3[%add3A_14] : memref<4194304xi32, #tpu.memory_space<hbm>> -> memref<8192xi32, #tpu.memory_space<hbm>>
    tpu.enqueue_dma source(%dma_start3A_18 : memref<8192xi32, #tpu.memory_space<hbm>>) target(%arg11 : memref<8192xi32, #tpu.memory_space<vmem>>) target_semaphore(%arg16 : memref<!tpu.dma_semaphore, #tpu.memory_space<semaphore_mem>>)
    "tpu.region"() ({
      %run_scoped3A = tpu.sem_alloc : memref<!tpu.dma_semaphore, #tpu.memory_space<semaphore_mem>>
      tpu.enqueue_dma source(%arg4 : memref<65536xf32, #tpu.memory_space<hbm>>) target(%arg7 : memref<65536xf32, #tpu.memory_space<vmem>>) target_semaphore(%run_scoped3A : memref<!tpu.dma_semaphore, #tpu.memory_space<semaphore_mem>>)
      tpu.wait_dma2 semaphore(%run_scoped3A : memref<!tpu.dma_semaphore, #tpu.memory_space<semaphore_mem>>) src(%arg4 : memref<65536xf32, #tpu.memory_space<hbm>>) dst(%arg7 : memref<65536xf32, #tpu.memory_space<vmem>>)
      tpu.yield
    }) : () -> ()
    %broadcast_in_dim3A_19 = arith.constant 0.000000e+00 : f32
    %broadcast_in_dim3A_20 = vector.broadcast %broadcast_in_dim3A_19 : f32 to vector<16xf32>
    %sub3A = arith.constant 16 : i32
    %sub3A_21 = arith.constant 0 : i32
    %sub3A_22 = arith.subi %sub3A, %sub3A_21 : i32
    %sub3A_23 = arith.constant 2 : i32
    %sub3A_24 = arith.constant 1 : i32
    %sub3A_25 = arith.subi %sub3A_23, %sub3A_24 : i32
    %add3A_26 = arith.addi %sub3A_22, %sub3A_25 : i32
    %div3A = arith.constant 2 : i32
    %div3A_27 = arith.divsi %add3A_26, %div3A : i32
    %while3A = arith.constant 2 : i32
    %while3A_28 = arith.constant 0 : i32
    %while3A_29 = arith.constant 0 : i32
    %while3A_30 = arith.subi %div3A_27, %while3A_29 : i32
    %while3A_31 = arith.addi %while3A_29, %while3A_30 : i32
    %while3A_32 = arith.constant 1 : i32
    %while3A_33 = arith.divsi %while3A_30, %while3A_32 : i32
    %while3A_34 = arith.muli %while3A_33, %while3A_32 : i32
    %while3A_35 = arith.addi %while3A_29, %while3A_34 : i32
    %while3A_36 = arith.constant 1 : i32
    %while3A_37 = scf.for %while3A_50 = %while3A_29 to %while3A_35 step %while3A_36 iter_args(%while3A_51 = %broadcast_in_dim3A_20) -> (vector<16xf32>)  : i32 {
      %mul3A_52 = arith.muli %while3A_50, %while3A : i32
      %add3A_53 = arith.addi %while3A_28, %mul3A_52 : i32
      %gt3A = arith.constant 0 : i32
      %gt3A_54 = arith.cmpi sgt, %add3A_53, %gt3A : i32
      %convert_element_type3A = arith.extui %gt3A_54 : i1 to i32
      %cond3A = arith.constant 0 : i32
      %cond3A_55 = arith.cmpi ne, %convert_element_type3A, %cond3A : i32
      scf.if %cond3A_55 {
        %dma_wait3A_109 = arith.constant 0 : i32
        %dma_wait3A_110 = tpu.memref_slice %arg5[%dma_wait3A_109] : memref<4194304xf32, #tpu.memory_space<hbm>> -> memref<8192xf32, #tpu.memory_space<hbm>>
        %dma_wait3A_111 = arith.constant 0 : i32
        %dma_wait3A_112 = tpu.memref_slice %arg5[%dma_wait3A_111] : memref<4194304xf32, #tpu.memory_space<hbm>> -> memref<8192xf32, #tpu.memory_space<hbm>>
        tpu.wait_dma2 semaphore(%arg17 : memref<!tpu.dma_semaphore, #tpu.memory_space<semaphore_mem>>) src(%arg12 : memref<8192xf32, #tpu.memory_space<vmem>>) dst(%dma_wait3A_112 : memref<8192xf32, #tpu.memory_space<hbm>>)
      } else {
      }
      %dma_wait3A_56 = arith.constant 0 : i32
      %dma_wait3A_57 = tpu.memref_slice %arg2[%dma_wait3A_56] : memref<4194304xf32, #tpu.memory_space<hbm>> -> memref<8192xf32, #tpu.memory_space<hbm>>
      %dma_wait3A_58 = arith.constant 0 : i32
      %dma_wait3A_59 = tpu.memref_slice %arg2[%dma_wait3A_58] : memref<4194304xf32, #tpu.memory_space<hbm>> -> memref<8192xf32, #tpu.memory_space<hbm>>
      tpu.wait_dma2 semaphore(%arg15 : memref<!tpu.dma_semaphore, #tpu.memory_space<semaphore_mem>>) src(%dma_wait3A_59 : memref<8192xf32, #tpu.memory_space<hbm>>) dst(%arg8 : memref<8192xf32, #tpu.memory_space<vmem>>)
      %dma_wait3A_60 = arith.constant 0 : i32
      %dma_wait3A_61 = tpu.memref_slice %arg3[%dma_wait3A_60] : memref<4194304xi32, #tpu.memory_space<hbm>> -> memref<8192xi32, #tpu.memory_space<hbm>>
      %dma_wait3A_62 = arith.constant 0 : i32
      %dma_wait3A_63 = tpu.memref_slice %arg3[%dma_wait3A_62] : memref<4194304xi32, #tpu.memory_space<hbm>> -> memref<8192xi32, #tpu.memory_space<hbm>>
      tpu.wait_dma2 semaphore(%arg15 : memref<!tpu.dma_semaphore, #tpu.memory_space<semaphore_mem>>) src(%dma_wait3A_63 : memref<8192xi32, #tpu.memory_space<hbm>>) dst(%arg9 : memref<8192xi32, #tpu.memory_space<vmem>>)
      %parallel_loop3A = arith.constant 0 : i32
      %parallel_loop3A_64 = arith.constant 512 : i32
      %parallel_loop3A_65 = arith.constant 1 : i32
      %parallel_loop3A_66 = scf.for %parallel_loop3A_109 = %parallel_loop3A to %parallel_loop3A_64 step %parallel_loop3A_65 iter_args(%parallel_loop3A_110 = %while3A_51) -> (vector<16xf32>)  : i32 {
        %parallel_loop3A_111 = arith.constant 16 : i32
        %parallel_loop3A_112 = arith.muli %parallel_loop3A_109, %parallel_loop3A_111 : i32
        %parallel_loop3A_113 = arith.index_cast %parallel_loop3A_112 : i32 to index
        %parallel_loop3A_114 = tpu.vector_load %arg9[%parallel_loop3A_113] {strides = array<i32>} : memref<8192xi32, #tpu.memory_space<vmem>>, vector<16xi32>,
        %parallel_loop3A_115 = vector.bitcast %parallel_loop3A_114 : vector<16xi32> to vector<16xi32>
        %parallel_loop3A_116 = arith.index_cast %parallel_loop3A_112 : i32 to index
        %parallel_loop3A_117 = tpu.vector_load %arg8[%parallel_loop3A_116] {strides = array<i32>} : memref<8192xf32, #tpu.memory_space<vmem>>, vector<16xf32>,
        %parallel_loop3A_118 = tpu.vector_load_idx %arg7[%parallel_loop3A_115] : memref<65536xf32, #tpu.memory_space<vmem>>[vector<16xi32>], vector<16xf32>,
        %parallel_loop3A_119 = arith.mulf %parallel_loop3A_118, %parallel_loop3A_117 : vector<16xf32>
        %parallel_loop3A_120 = arith.constant true
        %parallel_loop3A_121 = vector.broadcast %parallel_loop3A_120 : i1 to vector<16xi1>
        %parallel_loop3A_122 = tpu.scan <sum>, %parallel_loop3A_119 masked %parallel_loop3A_121 : vector<16xf32>, vector<16xi1> -> vector<16xf32>
        %parallel_loop3A_123 = arith.addf %parallel_loop3A_122, %parallel_loop3A_110 : vector<16xf32>
        %parallel_loop3A_124 = arith.index_cast %parallel_loop3A_112 : i32 to index
        %parallel_loop3A_125 = tpu.vector_load %arg12[%parallel_loop3A_124] {strides = array<i32>} : memref<8192xf32, #tpu.memory_space<vmem>>, vector<16xf32>,
        tpu.vector_store %arg12[%parallel_loop3A_124], %parallel_loop3A_123 {strides = array<i32>} : memref<8192xf32, #tpu.memory_space<vmem>>, vector<16xf32>,
        %parallel_loop3A_126 = vector.shape_cast %broadcast_in_dim3A_3 : vector<16x1xi32> to vector<16xi32>
        %parallel_loop3A_127 = tpu.dynamic_gather %parallel_loop3A_122[%parallel_loop3A_126] in [0] : vector<16xf32>, vector<16xi32> -> vector<16xf32>
        %parallel_loop3A_128 = arith.addf %parallel_loop3A_110, %parallel_loop3A_127 : vector<16xf32>
        scf.yield %parallel_loop3A_128 : vector<16xf32>
      } {sc.loop_unroll_factor = 8 : i64, sc.parallel_access}
      %add3A_67 = arith.constant 2 : i32
      %add3A_68 = arith.addi %add3A_53, %add3A_67 : i32
      %lt3A = arith.constant 16 : i32
      %lt3A_69 = arith.cmpi slt, %add3A_68, %lt3A : i32
      %convert_element_type3A_70 = arith.extui %lt3A_69 : i1 to i32
      %cond3A_71 = arith.constant 0 : i32
      %cond3A_72 = arith.cmpi ne, %convert_element_type3A_70, %cond3A_71 : i32
      scf.if %cond3A_72 {
        %add3A_109 = arith.constant 2 : i32
        %add3A_110 = arith.addi %add3A_53, %add3A_109 : i32
        %mul3A_111 = arith.constant 8192 : i32
        %mul3A_112 = arith.muli %add3A_110, %mul3A_111 : i32
        %add3A_113 = arith.addi %mul3A_2, %mul3A_112 : i32
        %dma_start3A_114 = tpu.memref_slice %arg2[%add3A_113] : memref<4194304xf32, #tpu.memory_space<hbm>> -> memref<8192xf32, #tpu.memory_space<hbm>>
        %dma_start3A_115 = tpu.memref_slice %arg2[%add3A_113] : memref<4194304xf32, #tpu.memory_space<hbm>> -> memref<8192xf32, #tpu.memory_space<hbm>>
        tpu.enqueue_dma source(%dma_start3A_115 : memref<8192xf32, #tpu.memory_space<hbm>>) target(%arg8 : memref<8192xf32, #tpu.memory_space<vmem>>) target_semaphore(%arg15 : memref<!tpu.dma_semaphore, #tpu.memory_space<semaphore_mem>>)
        %dma_start3A_116 = tpu.memref_slice %arg3[%add3A_113] : memref<4194304xi32, #tpu.memory_space<hbm>> -> memref<8192xi32, #tpu.memory_space<hbm>>
        %dma_start3A_117 = tpu.memref_slice %arg3[%add3A_113] : memref<4194304xi32, #tpu.memory_space<hbm>> -> memref<8192xi32, #tpu.memory_space<hbm>>
        tpu.enqueue_dma source(%dma_start3A_117 : memref<8192xi32, #tpu.memory_space<hbm>>) target(%arg9 : memref<8192xi32, #tpu.memory_space<vmem>>) target_semaphore(%arg15 : memref<!tpu.dma_semaphore, #tpu.memory_space<semaphore_mem>>)
      } else {
      }
      %mul3A_73 = arith.constant 8192 : i32
      %mul3A_74 = arith.muli %add3A_53, %mul3A_73 : i32
      %add3A_75 = arith.addi %mul3A_2, %mul3A_74 : i32
      %dma_start3A_76 = tpu.memref_slice %arg5[%add3A_75] : memref<4194304xf32, #tpu.memory_space<hbm>> -> memref<8192xf32, #tpu.memory_space<hbm>>
      %dma_start3A_77 = tpu.memref_slice %arg5[%add3A_75] : memref<4194304xf32, #tpu.memory_space<hbm>> -> memref<8192xf32, #tpu.memory_space<hbm>>
      tpu.enqueue_dma source(%arg12 : memref<8192xf32, #tpu.memory_space<vmem>>) target(%dma_start3A_77 : memref<8192xf32, #tpu.memory_space<hbm>>) target_semaphore(%arg17 : memref<!tpu.dma_semaphore, #tpu.memory_space<semaphore_mem>>)
      %gt3A_78 = arith.constant 0 : i32
      %gt3A_79 = arith.cmpi sgt, %add3A_53, %gt3A_78 : i32
      %convert_element_type3A_80 = arith.extui %gt3A_79 : i1 to i32
      %cond3A_81 = arith.constant 0 : i32
      %cond3A_82 = arith.cmpi ne, %convert_element_type3A_80, %cond3A_81 : i32
      scf.if %cond3A_82 {
        %dma_wait3A_109 = arith.constant 0 : i32
        %dma_wait3A_110 = tpu.memref_slice %arg5[%dma_wait3A_109] : memref<4194304xf32, #tpu.memory_space<hbm>> -> memref<8192xf32, #tpu.memory_space<hbm>>
        %dma_wait3A_111 = arith.constant 0 : i32
        %dma_wait3A_112 = tpu.memref_slice %arg5[%dma_wait3A_111] : memref<4194304xf32, #tpu.memory_space<hbm>> -> memref<8192xf32, #tpu.memory_space<hbm>>
        tpu.wait_dma2 semaphore(%arg18 : memref<!tpu.dma_semaphore, #tpu.memory_space<semaphore_mem>>) src(%arg13 : memref<8192xf32, #tpu.memory_space<vmem>>) dst(%dma_wait3A_112 : memref<8192xf32, #tpu.memory_space<hbm>>)
      } else {
      }
      %dma_wait3A_83 = arith.constant 0 : i32
      %dma_wait3A_84 = tpu.memref_slice %arg2[%dma_wait3A_83] : memref<4194304xf32, #tpu.memory_space<hbm>> -> memref<8192xf32, #tpu.memory_space<hbm>>
      %dma_wait3A_85 = arith.constant 0 : i32
      %dma_wait3A_86 = tpu.memref_slice %arg2[%dma_wait3A_85] : memref<4194304xf32, #tpu.memory_space<hbm>> -> memref<8192xf32, #tpu.memory_space<hbm>>
      tpu.wait_dma2 semaphore(%arg16 : memref<!tpu.dma_semaphore, #tpu.memory_space<semaphore_mem>>) src(%dma_wait3A_86 : memref<8192xf32, #tpu.memory_space<hbm>>) dst(%arg10 : memref<8192xf32, #tpu.memory_space<vmem>>)
      %dma_wait3A_87 = arith.constant 0 : i32
      %dma_wait3A_88 = tpu.memref_slice %arg3[%dma_wait3A_87] : memref<4194304xi32, #tpu.memory_space<hbm>> -> memref<8192xi32, #tpu.memory_space<hbm>>
      %dma_wait3A_89 = arith.constant 0 : i32
      %dma_wait3A_90 = tpu.memref_slice %arg3[%dma_wait3A_89] : memref<4194304xi32, #tpu.memory_space<hbm>> -> memref<8192xi32, #tpu.memory_space<hbm>>
      tpu.wait_dma2 semaphore(%arg16 : memref<!tpu.dma_semaphore, #tpu.memory_space<semaphore_mem>>) src(%dma_wait3A_90 : memref<8192xi32, #tpu.memory_space<hbm>>) dst(%arg11 : memref<8192xi32, #tpu.memory_space<vmem>>)
      %parallel_loop3A_91 = arith.constant 0 : i32
      %parallel_loop3A_92 = arith.constant 512 : i32
      %parallel_loop3A_93 = arith.constant 1 : i32
      %parallel_loop3A_94 = scf.for %parallel_loop3A_109 = %parallel_loop3A_91 to %parallel_loop3A_92 step %parallel_loop3A_93 iter_args(%parallel_loop3A_110 = %parallel_loop3A_66) -> (vector<16xf32>)  : i32 {
        %parallel_loop3A_111 = arith.constant 16 : i32
        %parallel_loop3A_112 = arith.muli %parallel_loop3A_109, %parallel_loop3A_111 : i32
        %parallel_loop3A_113 = arith.index_cast %parallel_loop3A_112 : i32 to index
        %parallel_loop3A_114 = tpu.vector_load %arg11[%parallel_loop3A_113] {strides = array<i32>} : memref<8192xi32, #tpu.memory_space<vmem>>, vector<16xi32>,
        %parallel_loop3A_115 = vector.bitcast %parallel_loop3A_114 : vector<16xi32> to vector<16xi32>
        %parallel_loop3A_116 = arith.index_cast %parallel_loop3A_112 : i32 to index
        %parallel_loop3A_117 = tpu.vector_load %arg10[%parallel_loop3A_116] {strides = array<i32>} : memref<8192xf32, #tpu.memory_space<vmem>>, vector<16xf32>,
        %parallel_loop3A_118 = tpu.vector_load_idx %arg7[%parallel_loop3A_115] : memref<65536xf32, #tpu.memory_space<vmem>>[vector<16xi32>], vector<16xf32>,
        %parallel_loop3A_119 = arith.mulf %parallel_loop3A_118, %parallel_loop3A_117 : vector<16xf32>
        %parallel_loop3A_120 = arith.constant true
        %parallel_loop3A_121 = vector.broadcast %parallel_loop3A_120 : i1 to vector<16xi1>
        %parallel_loop3A_122 = tpu.scan <sum>, %parallel_loop3A_119 masked %parallel_loop3A_121 : vector<16xf32>, vector<16xi1> -> vector<16xf32>
        %parallel_loop3A_123 = arith.addf %parallel_loop3A_122, %parallel_loop3A_110 : vector<16xf32>
        %parallel_loop3A_124 = arith.index_cast %parallel_loop3A_112 : i32 to index
        %parallel_loop3A_125 = tpu.vector_load %arg13[%parallel_loop3A_124] {strides = array<i32>} : memref<8192xf32, #tpu.memory_space<vmem>>, vector<16xf32>,
        tpu.vector_store %arg13[%parallel_loop3A_124], %parallel_loop3A_123 {strides = array<i32>} : memref<8192xf32, #tpu.memory_space<vmem>>, vector<16xf32>,
        %parallel_loop3A_126 = vector.shape_cast %broadcast_in_dim3A_3 : vector<16x1xi32> to vector<16xi32>
        %parallel_loop3A_127 = tpu.dynamic_gather %parallel_loop3A_122[%parallel_loop3A_126] in [0] : vector<16xf32>, vector<16xi32> -> vector<16xf32>
        %parallel_loop3A_128 = arith.addf %parallel_loop3A_110, %parallel_loop3A_127 : vector<16xf32>
        scf.yield %parallel_loop3A_128 : vector<16xf32>
      } {sc.loop_unroll_factor = 8 : i64, sc.parallel_access}
      %add3A_95 = arith.constant 3 : i32
      %add3A_96 = arith.addi %add3A_53, %add3A_95 : i32
      %lt3A_97 = arith.constant 16 : i32
      %lt3A_98 = arith.cmpi slt, %add3A_96, %lt3A_97 : i32
      %convert_element_type3A_99 = arith.extui %lt3A_98 : i1 to i32
      %cond3A_100 = arith.constant 0 : i32
      %cond3A_101 = arith.cmpi ne, %convert_element_type3A_99, %cond3A_100 : i32
      scf.if %cond3A_101 {
        %add3A_109 = arith.constant 3 : i32
        %add3A_110 = arith.addi %add3A_53, %add3A_109 : i32
        %mul3A_111 = arith.constant 8192 : i32
        %mul3A_112 = arith.muli %add3A_110, %mul3A_111 : i32
        %add3A_113 = arith.addi %mul3A_2, %mul3A_112 : i32
        %dma_start3A_114 = tpu.memref_slice %arg2[%add3A_113] : memref<4194304xf32, #tpu.memory_space<hbm>> -> memref<8192xf32, #tpu.memory_space<hbm>>
        %dma_start3A_115 = tpu.memref_slice %arg2[%add3A_113] : memref<4194304xf32, #tpu.memory_space<hbm>> -> memref<8192xf32, #tpu.memory_space<hbm>>
        tpu.enqueue_dma source(%dma_start3A_115 : memref<8192xf32, #tpu.memory_space<hbm>>) target(%arg10 : memref<8192xf32, #tpu.memory_space<vmem>>) target_semaphore(%arg16 : memref<!tpu.dma_semaphore, #tpu.memory_space<semaphore_mem>>)
        %dma_start3A_116 = tpu.memref_slice %arg3[%add3A_113] : memref<4194304xi32, #tpu.memory_space<hbm>> -> memref<8192xi32, #tpu.memory_space<hbm>>
        %dma_start3A_117 = tpu.memref_slice %arg3[%add3A_113] : memref<4194304xi32, #tpu.memory_space<hbm>> -> memref<8192xi32, #tpu.memory_space<hbm>>
        tpu.enqueue_dma source(%dma_start3A_117 : memref<8192xi32, #tpu.memory_space<hbm>>) target(%arg11 : memref<8192xi32, #tpu.memory_space<vmem>>) target_semaphore(%arg16 : memref<!tpu.dma_semaphore, #tpu.memory_space<semaphore_mem>>)
      } else {
      }
      %add3A_102 = arith.constant 1 : i32
      %add3A_103 = arith.addi %add3A_53, %add3A_102 : i32
      %mul3A_104 = arith.constant 8192 : i32
      %mul3A_105 = arith.muli %add3A_103, %mul3A_104 : i32
      %add3A_106 = arith.addi %mul3A_2, %mul3A_105 : i32
      %dma_start3A_107 = tpu.memref_slice %arg5[%add3A_106] : memref<4194304xf32, #tpu.memory_space<hbm>> -> memref<8192xf32, #tpu.memory_space<hbm>>
      %dma_start3A_108 = tpu.memref_slice %arg5[%add3A_106] : memref<4194304xf32, #tpu.memory_space<hbm>> -> memref<8192xf32, #tpu.memory_space<hbm>>
      tpu.enqueue_dma source(%arg13 : memref<8192xf32, #tpu.memory_space<vmem>>) target(%dma_start3A_108 : memref<8192xf32, #tpu.memory_space<hbm>>) target_semaphore(%arg18 : memref<!tpu.dma_semaphore, #tpu.memory_space<semaphore_mem>>)
      scf.yield %parallel_loop3A_94 : vector<16xf32>
    }
    %while3A_38 = arith.constant 1 : i32
    %while3A_39 = scf.for %while3A_50 = %while3A_35 to %while3A_31 step %while3A_38 iter_args(%while3A_51 = %while3A_37) -> (vector<16xf32>)  : i32 {
      %mul3A_52 = arith.muli %while3A_50, %while3A : i32
      %add3A_53 = arith.addi %while3A_28, %mul3A_52 : i32
      %gt3A = arith.constant 0 : i32
      %gt3A_54 = arith.cmpi sgt, %add3A_53, %gt3A : i32
      %convert_element_type3A = arith.extui %gt3A_54 : i1 to i32
      %cond3A = arith.constant 0 : i32
      %cond3A_55 = arith.cmpi ne, %convert_element_type3A, %cond3A : i32
      scf.if %cond3A_55 {
        %dma_wait3A_109 = arith.constant 0 : i32
        %dma_wait3A_110 = tpu.memref_slice %arg5[%dma_wait3A_109] : memref<4194304xf32, #tpu.memory_space<hbm>> -> memref<8192xf32, #tpu.memory_space<hbm>>
        %dma_wait3A_111 = arith.constant 0 : i32
        %dma_wait3A_112 = tpu.memref_slice %arg5[%dma_wait3A_111] : memref<4194304xf32, #tpu.memory_space<hbm>> -> memref<8192xf32, #tpu.memory_space<hbm>>
        tpu.wait_dma2 semaphore(%arg17 : memref<!tpu.dma_semaphore, #tpu.memory_space<semaphore_mem>>) src(%arg12 : memref<8192xf32, #tpu.memory_space<vmem>>) dst(%dma_wait3A_112 : memref<8192xf32, #tpu.memory_space<hbm>>)
      } else {
      }
      %dma_wait3A_56 = arith.constant 0 : i32
      %dma_wait3A_57 = tpu.memref_slice %arg2[%dma_wait3A_56] : memref<4194304xf32, #tpu.memory_space<hbm>> -> memref<8192xf32, #tpu.memory_space<hbm>>
      %dma_wait3A_58 = arith.constant 0 : i32
      %dma_wait3A_59 = tpu.memref_slice %arg2[%dma_wait3A_58] : memref<4194304xf32, #tpu.memory_space<hbm>> -> memref<8192xf32, #tpu.memory_space<hbm>>
      tpu.wait_dma2 semaphore(%arg15 : memref<!tpu.dma_semaphore, #tpu.memory_space<semaphore_mem>>) src(%dma_wait3A_59 : memref<8192xf32, #tpu.memory_space<hbm>>) dst(%arg8 : memref<8192xf32, #tpu.memory_space<vmem>>)
      %dma_wait3A_60 = arith.constant 0 : i32
      %dma_wait3A_61 = tpu.memref_slice %arg3[%dma_wait3A_60] : memref<4194304xi32, #tpu.memory_space<hbm>> -> memref<8192xi32, #tpu.memory_space<hbm>>
      %dma_wait3A_62 = arith.constant 0 : i32
      %dma_wait3A_63 = tpu.memref_slice %arg3[%dma_wait3A_62] : memref<4194304xi32, #tpu.memory_space<hbm>> -> memref<8192xi32, #tpu.memory_space<hbm>>
      tpu.wait_dma2 semaphore(%arg15 : memref<!tpu.dma_semaphore, #tpu.memory_space<semaphore_mem>>) src(%dma_wait3A_63 : memref<8192xi32, #tpu.memory_space<hbm>>) dst(%arg9 : memref<8192xi32, #tpu.memory_space<vmem>>)
      %parallel_loop3A = arith.constant 0 : i32
      %parallel_loop3A_64 = arith.constant 512 : i32
      %parallel_loop3A_65 = arith.constant 1 : i32
      %parallel_loop3A_66 = scf.for %parallel_loop3A_109 = %parallel_loop3A to %parallel_loop3A_64 step %parallel_loop3A_65 iter_args(%parallel_loop3A_110 = %while3A_51) -> (vector<16xf32>)  : i32 {
        %parallel_loop3A_111 = arith.constant 16 : i32
        %parallel_loop3A_112 = arith.muli %parallel_loop3A_109, %parallel_loop3A_111 : i32
        %parallel_loop3A_113 = arith.index_cast %parallel_loop3A_112 : i32 to index
        %parallel_loop3A_114 = tpu.vector_load %arg9[%parallel_loop3A_113] {strides = array<i32>} : memref<8192xi32, #tpu.memory_space<vmem>>, vector<16xi32>,
        %parallel_loop3A_115 = vector.bitcast %parallel_loop3A_114 : vector<16xi32> to vector<16xi32>
        %parallel_loop3A_116 = arith.index_cast %parallel_loop3A_112 : i32 to index
        %parallel_loop3A_117 = tpu.vector_load %arg8[%parallel_loop3A_116] {strides = array<i32>} : memref<8192xf32, #tpu.memory_space<vmem>>, vector<16xf32>,
        %parallel_loop3A_118 = tpu.vector_load_idx %arg7[%parallel_loop3A_115] : memref<65536xf32, #tpu.memory_space<vmem>>[vector<16xi32>], vector<16xf32>,
        %parallel_loop3A_119 = arith.mulf %parallel_loop3A_118, %parallel_loop3A_117 : vector<16xf32>
        %parallel_loop3A_120 = arith.constant true
        %parallel_loop3A_121 = vector.broadcast %parallel_loop3A_120 : i1 to vector<16xi1>
        %parallel_loop3A_122 = tpu.scan <sum>, %parallel_loop3A_119 masked %parallel_loop3A_121 : vector<16xf32>, vector<16xi1> -> vector<16xf32>
        %parallel_loop3A_123 = arith.addf %parallel_loop3A_122, %parallel_loop3A_110 : vector<16xf32>
        %parallel_loop3A_124 = arith.index_cast %parallel_loop3A_112 : i32 to index
        %parallel_loop3A_125 = tpu.vector_load %arg12[%parallel_loop3A_124] {strides = array<i32>} : memref<8192xf32, #tpu.memory_space<vmem>>, vector<16xf32>,
        tpu.vector_store %arg12[%parallel_loop3A_124], %parallel_loop3A_123 {strides = array<i32>} : memref<8192xf32, #tpu.memory_space<vmem>>, vector<16xf32>,
        %parallel_loop3A_126 = vector.shape_cast %broadcast_in_dim3A_3 : vector<16x1xi32> to vector<16xi32>
        %parallel_loop3A_127 = tpu.dynamic_gather %parallel_loop3A_122[%parallel_loop3A_126] in [0] : vector<16xf32>, vector<16xi32> -> vector<16xf32>
        %parallel_loop3A_128 = arith.addf %parallel_loop3A_110, %parallel_loop3A_127 : vector<16xf32>
        scf.yield %parallel_loop3A_128 : vector<16xf32>
      } {sc.loop_unroll_factor = 8 : i64, sc.parallel_access}
      %add3A_67 = arith.constant 2 : i32
      %add3A_68 = arith.addi %add3A_53, %add3A_67 : i32
      %lt3A = arith.constant 16 : i32
      %lt3A_69 = arith.cmpi slt, %add3A_68, %lt3A : i32
      %convert_element_type3A_70 = arith.extui %lt3A_69 : i1 to i32
      %cond3A_71 = arith.constant 0 : i32
      %cond3A_72 = arith.cmpi ne, %convert_element_type3A_70, %cond3A_71 : i32
      scf.if %cond3A_72 {
        %add3A_109 = arith.constant 2 : i32
        %add3A_110 = arith.addi %add3A_53, %add3A_109 : i32
        %mul3A_111 = arith.constant 8192 : i32
        %mul3A_112 = arith.muli %add3A_110, %mul3A_111 : i32
        %add3A_113 = arith.addi %mul3A_2, %mul3A_112 : i32
        %dma_start3A_114 = tpu.memref_slice %arg2[%add3A_113] : memref<4194304xf32, #tpu.memory_space<hbm>> -> memref<8192xf32, #tpu.memory_space<hbm>>
        %dma_start3A_115 = tpu.memref_slice %arg2[%add3A_113] : memref<4194304xf32, #tpu.memory_space<hbm>> -> memref<8192xf32, #tpu.memory_space<hbm>>
        tpu.enqueue_dma source(%dma_start3A_115 : memref<8192xf32, #tpu.memory_space<hbm>>) target(%arg8 : memref<8192xf32, #tpu.memory_space<vmem>>) target_semaphore(%arg15 : memref<!tpu.dma_semaphore, #tpu.memory_space<semaphore_mem>>)
        %dma_start3A_116 = tpu.memref_slice %arg3[%add3A_113] : memref<4194304xi32, #tpu.memory_space<hbm>> -> memref<8192xi32, #tpu.memory_space<hbm>>
        %dma_start3A_117 = tpu.memref_slice %arg3[%add3A_113] : memref<4194304xi32, #tpu.memory_space<hbm>> -> memref<8192xi32, #tpu.memory_space<hbm>>
        tpu.enqueue_dma source(%dma_start3A_117 : memref<8192xi32, #tpu.memory_space<hbm>>) target(%arg9 : memref<8192xi32, #tpu.memory_space<vmem>>) target_semaphore(%arg15 : memref<!tpu.dma_semaphore, #tpu.memory_space<semaphore_mem>>)
      } else {
      }
      %mul3A_73 = arith.constant 8192 : i32
      %mul3A_74 = arith.muli %add3A_53, %mul3A_73 : i32
      %add3A_75 = arith.addi %mul3A_2, %mul3A_74 : i32
      %dma_start3A_76 = tpu.memref_slice %arg5[%add3A_75] : memref<4194304xf32, #tpu.memory_space<hbm>> -> memref<8192xf32, #tpu.memory_space<hbm>>
      %dma_start3A_77 = tpu.memref_slice %arg5[%add3A_75] : memref<4194304xf32, #tpu.memory_space<hbm>> -> memref<8192xf32, #tpu.memory_space<hbm>>
      tpu.enqueue_dma source(%arg12 : memref<8192xf32, #tpu.memory_space<vmem>>) target(%dma_start3A_77 : memref<8192xf32, #tpu.memory_space<hbm>>) target_semaphore(%arg17 : memref<!tpu.dma_semaphore, #tpu.memory_space<semaphore_mem>>)
      %gt3A_78 = arith.constant 0 : i32
      %gt3A_79 = arith.cmpi sgt, %add3A_53, %gt3A_78 : i32
      %convert_element_type3A_80 = arith.extui %gt3A_79 : i1 to i32
      %cond3A_81 = arith.constant 0 : i32
      %cond3A_82 = arith.cmpi ne, %convert_element_type3A_80, %cond3A_81 : i32
      scf.if %cond3A_82 {
        %dma_wait3A_109 = arith.constant 0 : i32
        %dma_wait3A_110 = tpu.memref_slice %arg5[%dma_wait3A_109] : memref<4194304xf32, #tpu.memory_space<hbm>> -> memref<8192xf32, #tpu.memory_space<hbm>>
        %dma_wait3A_111 = arith.constant 0 : i32
        %dma_wait3A_112 = tpu.memref_slice %arg5[%dma_wait3A_111] : memref<4194304xf32, #tpu.memory_space<hbm>> -> memref<8192xf32, #tpu.memory_space<hbm>>
        tpu.wait_dma2 semaphore(%arg18 : memref<!tpu.dma_semaphore, #tpu.memory_space<semaphore_mem>>) src(%arg13 : memref<8192xf32, #tpu.memory_space<vmem>>) dst(%dma_wait3A_112 : memref<8192xf32, #tpu.memory_space<hbm>>)
      } else {
      }
      %dma_wait3A_83 = arith.constant 0 : i32
      %dma_wait3A_84 = tpu.memref_slice %arg2[%dma_wait3A_83] : memref<4194304xf32, #tpu.memory_space<hbm>> -> memref<8192xf32, #tpu.memory_space<hbm>>
      %dma_wait3A_85 = arith.constant 0 : i32
      %dma_wait3A_86 = tpu.memref_slice %arg2[%dma_wait3A_85] : memref<4194304xf32, #tpu.memory_space<hbm>> -> memref<8192xf32, #tpu.memory_space<hbm>>
      tpu.wait_dma2 semaphore(%arg16 : memref<!tpu.dma_semaphore, #tpu.memory_space<semaphore_mem>>) src(%dma_wait3A_86 : memref<8192xf32, #tpu.memory_space<hbm>>) dst(%arg10 : memref<8192xf32, #tpu.memory_space<vmem>>)
      %dma_wait3A_87 = arith.constant 0 : i32
      %dma_wait3A_88 = tpu.memref_slice %arg3[%dma_wait3A_87] : memref<4194304xi32, #tpu.memory_space<hbm>> -> memref<8192xi32, #tpu.memory_space<hbm>>
      %dma_wait3A_89 = arith.constant 0 : i32
      %dma_wait3A_90 = tpu.memref_slice %arg3[%dma_wait3A_89] : memref<4194304xi32, #tpu.memory_space<hbm>> -> memref<8192xi32, #tpu.memory_space<hbm>>
      tpu.wait_dma2 semaphore(%arg16 : memref<!tpu.dma_semaphore, #tpu.memory_space<semaphore_mem>>) src(%dma_wait3A_90 : memref<8192xi32, #tpu.memory_space<hbm>>) dst(%arg11 : memref<8192xi32, #tpu.memory_space<vmem>>)
      %parallel_loop3A_91 = arith.constant 0 : i32
      %parallel_loop3A_92 = arith.constant 512 : i32
      %parallel_loop3A_93 = arith.constant 1 : i32
      %parallel_loop3A_94 = scf.for %parallel_loop3A_109 = %parallel_loop3A_91 to %parallel_loop3A_92 step %parallel_loop3A_93 iter_args(%parallel_loop3A_110 = %parallel_loop3A_66) -> (vector<16xf32>)  : i32 {
        %parallel_loop3A_111 = arith.constant 16 : i32
        %parallel_loop3A_112 = arith.muli %parallel_loop3A_109, %parallel_loop3A_111 : i32
        %parallel_loop3A_113 = arith.index_cast %parallel_loop3A_112 : i32 to index
        %parallel_loop3A_114 = tpu.vector_load %arg11[%parallel_loop3A_113] {strides = array<i32>} : memref<8192xi32, #tpu.memory_space<vmem>>, vector<16xi32>,
        %parallel_loop3A_115 = vector.bitcast %parallel_loop3A_114 : vector<16xi32> to vector<16xi32>
        %parallel_loop3A_116 = arith.index_cast %parallel_loop3A_112 : i32 to index
        %parallel_loop3A_117 = tpu.vector_load %arg10[%parallel_loop3A_116] {strides = array<i32>} : memref<8192xf32, #tpu.memory_space<vmem>>, vector<16xf32>,
        %parallel_loop3A_118 = tpu.vector_load_idx %arg7[%parallel_loop3A_115] : memref<65536xf32, #tpu.memory_space<vmem>>[vector<16xi32>], vector<16xf32>,
        %parallel_loop3A_119 = arith.mulf %parallel_loop3A_118, %parallel_loop3A_117 : vector<16xf32>
        %parallel_loop3A_120 = arith.constant true
        %parallel_loop3A_121 = vector.broadcast %parallel_loop3A_120 : i1 to vector<16xi1>
        %parallel_loop3A_122 = tpu.scan <sum>, %parallel_loop3A_119 masked %parallel_loop3A_121 : vector<16xf32>, vector<16xi1> -> vector<16xf32>
        %parallel_loop3A_123 = arith.addf %parallel_loop3A_122, %parallel_loop3A_110 : vector<16xf32>
        %parallel_loop3A_124 = arith.index_cast %parallel_loop3A_112 : i32 to index
        %parallel_loop3A_125 = tpu.vector_load %arg13[%parallel_loop3A_124] {strides = array<i32>} : memref<8192xf32, #tpu.memory_space<vmem>>, vector<16xf32>,
        tpu.vector_store %arg13[%parallel_loop3A_124], %parallel_loop3A_123 {strides = array<i32>} : memref<8192xf32, #tpu.memory_space<vmem>>, vector<16xf32>,
        %parallel_loop3A_126 = vector.shape_cast %broadcast_in_dim3A_3 : vector<16x1xi32> to vector<16xi32>
        %parallel_loop3A_127 = tpu.dynamic_gather %parallel_loop3A_122[%parallel_loop3A_126] in [0] : vector<16xf32>, vector<16xi32> -> vector<16xf32>
        %parallel_loop3A_128 = arith.addf %parallel_loop3A_110, %parallel_loop3A_127 : vector<16xf32>
        scf.yield %parallel_loop3A_128 : vector<16xf32>
      } {sc.loop_unroll_factor = 8 : i64, sc.parallel_access}
      %add3A_95 = arith.constant 3 : i32
      %add3A_96 = arith.addi %add3A_53, %add3A_95 : i32
      %lt3A_97 = arith.constant 16 : i32
      %lt3A_98 = arith.cmpi slt, %add3A_96, %lt3A_97 : i32
      %convert_element_type3A_99 = arith.extui %lt3A_98 : i1 to i32
      %cond3A_100 = arith.constant 0 : i32
      %cond3A_101 = arith.cmpi ne, %convert_element_type3A_99, %cond3A_100 : i32
      scf.if %cond3A_101 {
        %add3A_109 = arith.constant 3 : i32
        %add3A_110 = arith.addi %add3A_53, %add3A_109 : i32
        %mul3A_111 = arith.constant 8192 : i32
        %mul3A_112 = arith.muli %add3A_110, %mul3A_111 : i32
        %add3A_113 = arith.addi %mul3A_2, %mul3A_112 : i32
        %dma_start3A_114 = tpu.memref_slice %arg2[%add3A_113] : memref<4194304xf32, #tpu.memory_space<hbm>> -> memref<8192xf32, #tpu.memory_space<hbm>>
        %dma_start3A_115 = tpu.memref_slice %arg2[%add3A_113] : memref<4194304xf32, #tpu.memory_space<hbm>> -> memref<8192xf32, #tpu.memory_space<hbm>>
        tpu.enqueue_dma source(%dma_start3A_115 : memref<8192xf32, #tpu.memory_space<hbm>>) target(%arg10 : memref<8192xf32, #tpu.memory_space<vmem>>) target_semaphore(%arg16 : memref<!tpu.dma_semaphore, #tpu.memory_space<semaphore_mem>>)
        %dma_start3A_116 = tpu.memref_slice %arg3[%add3A_113] : memref<4194304xi32, #tpu.memory_space<hbm>> -> memref<8192xi32, #tpu.memory_space<hbm>>
        %dma_start3A_117 = tpu.memref_slice %arg3[%add3A_113] : memref<4194304xi32, #tpu.memory_space<hbm>> -> memref<8192xi32, #tpu.memory_space<hbm>>
        tpu.enqueue_dma source(%dma_start3A_117 : memref<8192xi32, #tpu.memory_space<hbm>>) target(%arg11 : memref<8192xi32, #tpu.memory_space<vmem>>) target_semaphore(%arg16 : memref<!tpu.dma_semaphore, #tpu.memory_space<semaphore_mem>>)
      } else {
      }
      %add3A_102 = arith.constant 1 : i32
      %add3A_103 = arith.addi %add3A_53, %add3A_102 : i32
      %mul3A_104 = arith.constant 8192 : i32
      %mul3A_105 = arith.muli %add3A_103, %mul3A_104 : i32
      %add3A_106 = arith.addi %mul3A_2, %mul3A_105 : i32
      %dma_start3A_107 = tpu.memref_slice %arg5[%add3A_106] : memref<4194304xf32, #tpu.memory_space<hbm>> -> memref<8192xf32, #tpu.memory_space<hbm>>
      %dma_start3A_108 = tpu.memref_slice %arg5[%add3A_106] : memref<4194304xf32, #tpu.memory_space<hbm>> -> memref<8192xf32, #tpu.memory_space<hbm>>
      tpu.enqueue_dma source(%arg13 : memref<8192xf32, #tpu.memory_space<vmem>>) target(%dma_start3A_108 : memref<8192xf32, #tpu.memory_space<hbm>>) target_semaphore(%arg18 : memref<!tpu.dma_semaphore, #tpu.memory_space<semaphore_mem>>)
      scf.yield %parallel_loop3A_94 : vector<16xf32>
    }
    %dma_wait3A = arith.constant 0 : i32
    %dma_wait3A_40 = tpu.memref_slice %arg5[%dma_wait3A] : memref<4194304xf32, #tpu.memory_space<hbm>> -> memref<8192xf32, #tpu.memory_space<hbm>>
    %dma_wait3A_41 = arith.constant 0 : i32
    %dma_wait3A_42 = tpu.memref_slice %arg5[%dma_wait3A_41] : memref<4194304xf32, #tpu.memory_space<hbm>> -> memref<8192xf32, #tpu.memory_space<hbm>>
    tpu.wait_dma2 semaphore(%arg17 : memref<!tpu.dma_semaphore, #tpu.memory_space<semaphore_mem>>) src(%arg12 : memref<8192xf32, #tpu.memory_space<vmem>>) dst(%dma_wait3A_42 : memref<8192xf32, #tpu.memory_space<hbm>>)
    %dma_wait3A_43 = arith.constant 0 : i32
    %dma_wait3A_44 = tpu.memref_slice %arg5[%dma_wait3A_43] : memref<4194304xf32, #tpu.memory_space<hbm>> -> memref<8192xf32, #tpu.memory_space<hbm>>
    %dma_wait3A_45 = arith.constant 0 : i32
    %dma_wait3A_46 = tpu.memref_slice %arg5[%dma_wait3A_45] : memref<4194304xf32, #tpu.memory_space<hbm>> -> memref<8192xf32, #tpu.memory_space<hbm>>
    tpu.wait_dma2 semaphore(%arg18 : memref<!tpu.dma_semaphore, #tpu.memory_space<semaphore_mem>>) src(%arg13 : memref<8192xf32, #tpu.memory_space<vmem>>) dst(%dma_wait3A_46 : memref<8192xf32, #tpu.memory_space<hbm>>)
    %swap3A = arith.constant 0 : index
    %swap3A_47 = tpu.vector_load %arg14[%swap3A] {strides = array<i32>} : memref<16xf32, #tpu.memory_space<vmem>>, vector<16xf32>,
    tpu.vector_store %arg14[%swap3A], %while3A_39 {strides = array<i32>} : memref<16xf32, #tpu.memory_space<vmem>>, vector<16xf32>,
    %mul3A_48 = arith.constant 16 : i32
    %mul3A_49 = arith.muli %add3A, %mul3A_48 : i32
    "tpu.region"() ({
      %run_scoped3A = tpu.sem_alloc : memref<!tpu.dma_semaphore, #tpu.memory_space<semaphore_mem>>
      %dma_start3A_50 = tpu.memref_slice %arg6[%mul3A_49] : memref<512xf32, #tpu.memory_space<hbm>> -> memref<16xf32, #tpu.memory_space<hbm>>
      %dma_start3A_51 = tpu.memref_slice %arg6[%mul3A_49] : memref<512xf32, #tpu.memory_space<hbm>> -> memref<16xf32, #tpu.memory_space<hbm>>
      tpu.enqueue_dma source(%arg14 : memref<16xf32, #tpu.memory_space<vmem>>) target(%dma_start3A_51 : memref<16xf32, #tpu.memory_space<hbm>>) target_semaphore(%run_scoped3A : memref<!tpu.dma_semaphore, #tpu.memory_space<semaphore_mem>>)
      %dma_wait3A_52 = tpu.memref_slice %arg6[%mul3A_49] : memref<512xf32, #tpu.memory_space<hbm>> -> memref<16xf32, #tpu.memory_space<hbm>>
      %dma_wait3A_53 = tpu.memref_slice %arg6[%mul3A_49] : memref<512xf32, #tpu.memory_space<hbm>> -> memref<16xf32, #tpu.memory_space<hbm>>
      tpu.wait_dma2 semaphore(%run_scoped3A : memref<!tpu.dma_semaphore, #tpu.memory_space<semaphore_mem>>) src(%arg14 : memref<16xf32, #tpu.memory_space<vmem>>) dst(%dma_wait3A_53 : memref<16xf32, #tpu.memory_space<hbm>>)
      tpu.yield
    }) : () -> ()
    return
  }
}

#map = affine_map<(d0, d1) -> (0)>
module attributes {stable_mosaic.version = 14 : i64} {
  func.func @_phase2(%arg0: i32, %arg1: i32, %arg2: memref<65664xi32, #tpu.memory_space<hbm>>, %arg3: memref<4194304xf32, #tpu.memory_space<hbm>>, %arg4: memref<512xf32, #tpu.memory_space<hbm>>, %arg5: memref<65536xf32, #tpu.memory_space<hbm>>, %arg6: memref<2176xi32, #tpu.memory_space<vmem>>, %arg7: memref<2176xi32, #tpu.memory_space<vmem>>, %arg8: memref<2176xf32, #tpu.memory_space<vmem>>, %arg9: memref<512xf32, #tpu.memory_space<vmem>>, %arg10: memref<32xf32, #tpu.memory_space<vmem>>, %arg11: memref<2048xf32, #tpu.memory_space<vmem>>, %arg12: memref<!tpu.dma_semaphore, #tpu.memory_space<semaphore_mem>>) attributes {dimension_semantics = [#tpu.dimension_semantics<core_parallel>, #tpu.dimension_semantics<subcore_parallel>], iteration_bounds = array<i64: 2, 16>, scalar_prefetch = 0 : i64, scratch_operands = 7 : i64, tpu.core_type = #tpu.core_type<sc_vector_subcore>, window_params = [{transform_indices = #map}, {transform_indices = #map}, {transform_indices = #map}, {transform_indices = #map}]} {
    %mul3A = arith.constant 2 : i32
    %mul3A_0 = arith.muli %arg1, %mul3A : i32
    %add3A = arith.addi %mul3A_0, %arg0 : i32
    %mul3A_1 = arith.constant 2048 : i32
    %mul3A_2 = arith.muli %add3A, %mul3A_1 : i32
    "tpu.region"() ({
      %run_scoped3A = tpu.sem_alloc : memref<!tpu.dma_semaphore, #tpu.memory_space<semaphore_mem>>
      %dma_start3A = tpu.memref_slice %arg2[%mul3A_2] : memref<65664xi32, #tpu.memory_space<hbm>> -> memref<2176xi32, #tpu.memory_space<hbm>>
      %dma_start3A_77 = tpu.memref_slice %arg2[%mul3A_2] : memref<65664xi32, #tpu.memory_space<hbm>> -> memref<2176xi32, #tpu.memory_space<hbm>>
      tpu.enqueue_dma source(%dma_start3A_77 : memref<2176xi32, #tpu.memory_space<hbm>>) target(%arg6 : memref<2176xi32, #tpu.memory_space<vmem>>) target_semaphore(%run_scoped3A : memref<!tpu.dma_semaphore, #tpu.memory_space<semaphore_mem>>)
      %dma_wait3A = tpu.memref_slice %arg2[%mul3A_2] : memref<65664xi32, #tpu.memory_space<hbm>> -> memref<2176xi32, #tpu.memory_space<hbm>>
      %dma_wait3A_78 = tpu.memref_slice %arg2[%mul3A_2] : memref<65664xi32, #tpu.memory_space<hbm>> -> memref<2176xi32, #tpu.memory_space<hbm>>
      tpu.wait_dma2 semaphore(%run_scoped3A : memref<!tpu.dma_semaphore, #tpu.memory_space<semaphore_mem>>) src(%dma_wait3A_78 : memref<2176xi32, #tpu.memory_space<hbm>>) dst(%arg6 : memref<2176xi32, #tpu.memory_space<vmem>>)
      tpu.yield
    }) : () -> ()
    "tpu.region"() ({
      %run_scoped3A = tpu.sem_alloc : memref<!tpu.dma_semaphore, #tpu.memory_space<semaphore_mem>>
      tpu.enqueue_dma source(%arg4 : memref<512xf32, #tpu.memory_space<hbm>>) target(%arg9 : memref<512xf32, #tpu.memory_space<vmem>>) target_semaphore(%run_scoped3A : memref<!tpu.dma_semaphore, #tpu.memory_space<semaphore_mem>>)
      tpu.wait_dma2 semaphore(%run_scoped3A : memref<!tpu.dma_semaphore, #tpu.memory_space<semaphore_mem>>) src(%arg4 : memref<512xf32, #tpu.memory_space<hbm>>) dst(%arg9 : memref<512xf32, #tpu.memory_space<vmem>>)
      tpu.yield
    }) : () -> ()
    %iota3A = tpu.iota {dimensions = array<i32: 0>} : vector<16xi32>
    %mul3A_3 = arith.constant 16 : i32
    %mul3A_4 = vector.broadcast %mul3A_3 : i32 to vector<16xi32>
    %mul3A_5 = arith.muli %iota3A, %mul3A_4 : vector<16xi32>
    %gather3A = tpu.vector_load_idx %arg9[%mul3A_5] : memref<512xf32, #tpu.memory_space<vmem>>[vector<16xi32>], vector<16xf32>,
    %add3A_6 = arith.constant 256 : i32
    %add3A_7 = vector.broadcast %add3A_6 : i32 to vector<16xi32>
    %add3A_8 = arith.addi %mul3A_5, %add3A_7 : vector<16xi32>
    %gather3A_9 = tpu.vector_load_idx %arg9[%add3A_8] : memref<512xf32, #tpu.memory_space<vmem>>[vector<16xi32>], vector<16xf32>,
    %broadcast_in_dim3A = arith.constant true
    %broadcast_in_dim3A_10 = vector.broadcast %broadcast_in_dim3A : i1 to vector<16xi1>
    %masked_cumsum3A = tpu.scan <sum>, %gather3A masked %broadcast_in_dim3A_10 : vector<16xf32>, vector<16xi1> -> vector<16xf32>
    %sub3A = arith.subf %masked_cumsum3A, %gather3A : vector<16xf32>
    %swap3A = arith.constant 0 : index
    %swap3A_11 = tpu.vector_load %arg10[%swap3A] {strides = array<i32>} : memref<32xf32, #tpu.memory_space<vmem>>, vector<16xf32>,
    tpu.vector_store %arg10[%swap3A], %sub3A {strides = array<i32>} : memref<32xf32, #tpu.memory_space<vmem>>, vector<16xf32>,
    %broadcast_in_dim3A_12 = arith.constant true
    %broadcast_in_dim3A_13 = vector.broadcast %broadcast_in_dim3A_12 : i1 to vector<16xi1>
    %masked_cumsum3A_14 = tpu.scan <sum>, %gather3A_9 masked %broadcast_in_dim3A_13 : vector<16xf32>, vector<16xi1> -> vector<16xf32>
    %sub3A_15 = arith.subf %masked_cumsum3A_14, %gather3A_9 : vector<16xf32>
    %reduce_sum3A = arith.constant true
    %reduce_sum3A_16 = vector.broadcast %reduce_sum3A : i1 to vector<16xi1>
    %reduce_sum3A_17 = tpu.scan <sum>, %gather3A masked %reduce_sum3A_16 : vector<16xf32>, vector<16xi1> -> vector<16xf32>
    %reduce_sum3A_18 = vector.extract %reduce_sum3A_17[15] : f32 from vector<16xf32>
    %add3A_19 = vector.broadcast %reduce_sum3A_18 : f32 to vector<16xf32>
    %add3A_20 = arith.addf %sub3A_15, %add3A_19 : vector<16xf32>
    %swap3A_21 = arith.constant 16 : index
    %swap3A_22 = tpu.vector_load %arg10[%swap3A_21] {strides = array<i32>} : memref<32xf32, #tpu.memory_space<vmem>>, vector<16xf32>,
    tpu.vector_store %arg10[%swap3A_21], %add3A_20 {strides = array<i32>} : memref<32xf32, #tpu.memory_space<vmem>>, vector<16xf32>,
    %while3A = arith.constant 0 : i32
    %while3A_23 = arith.constant 136 : i32
    %while3A_24 = arith.constant 0 : i32
    %while3A_25 = arith.subi %while3A_23, %while3A : i32
    %while3A_26 = arith.addi %while3A, %while3A_25 : i32
    %while3A_27 = arith.constant 1 : i32
    %while3A_28 = arith.divsi %while3A_25, %while3A_27 : i32
    %while3A_29 = arith.muli %while3A_28, %while3A_27 : i32
    %while3A_30 = arith.addi %while3A, %while3A_29 : i32
    %while3A_31 = arith.constant 1 : i32
    %while3A_32 = scf.for %while3A_77 = %while3A to %while3A_30 step %while3A_31 iter_args(%while3A_78 = %while3A_24) -> (i32)  : i32 {
      %mul3A_79 = arith.constant 16 : i32
      %mul3A_80 = arith.muli %while3A_77, %mul3A_79 : i32
      %get3A = arith.index_cast %mul3A_80 : i32 to index
      %get3A_81 = tpu.vector_load %arg6[%get3A] {strides = array<i32>} : memref<2176xi32, #tpu.memory_space<vmem>>, vector<16xi32>,
      %bitcast3A = vector.bitcast %get3A_81 : vector<16xi32> to vector<16xi32>
      %sub3A_82 = arith.constant 1 : i32
      %sub3A_83 = vector.broadcast %sub3A_82 : i32 to vector<16xi32>
      %sub3A_84 = arith.subi %bitcast3A, %sub3A_83 : vector<16xi32>
      %max3A = arith.constant 0 : i32
      %max3A_85 = vector.broadcast %max3A : i32 to vector<16xi32>
      %max3A_86 = arith.maxsi %sub3A_84, %max3A_85 : vector<16xi32>
      %swap3A_87 = arith.index_cast %mul3A_80 : i32 to index
      %swap3A_88 = tpu.vector_load %arg7[%swap3A_87] {strides = array<i32>} : memref<2176xi32, #tpu.memory_space<vmem>>, vector<16xi32>,
      tpu.vector_store %arg7[%swap3A_87], %max3A_86 {strides = array<i32>} : memref<2176xi32, #tpu.memory_space<vmem>>, vector<16xi32>,
      %while3A_89 = arith.constant 0 : i32
      scf.yield %while3A_89 : i32
    }
    %while3A_33 = arith.constant 1 : i32
    %while3A_34 = scf.for %while3A_77 = %while3A_30 to %while3A_26 step %while3A_33 iter_args(%while3A_78 = %while3A_32) -> (i32)  : i32 {
      %mul3A_79 = arith.constant 16 : i32
      %mul3A_80 = arith.muli %while3A_77, %mul3A_79 : i32
      %get3A = arith.index_cast %mul3A_80 : i32 to index
      %get3A_81 = tpu.vector_load %arg6[%get3A] {strides = array<i32>} : memref<2176xi32, #tpu.memory_space<vmem>>, vector<16xi32>,
      %bitcast3A = vector.bitcast %get3A_81 : vector<16xi32> to vector<16xi32>
      %sub3A_82 = arith.constant 1 : i32
      %sub3A_83 = vector.broadcast %sub3A_82 : i32 to vector<16xi32>
      %sub3A_84 = arith.subi %bitcast3A, %sub3A_83 : vector<16xi32>
      %max3A = arith.constant 0 : i32
      %max3A_85 = vector.broadcast %max3A : i32 to vector<16xi32>
      %max3A_86 = arith.maxsi %sub3A_84, %max3A_85 : vector<16xi32>
      %swap3A_87 = arith.index_cast %mul3A_80 : i32 to index
      %swap3A_88 = tpu.vector_load %arg7[%swap3A_87] {strides = array<i32>} : memref<2176xi32, #tpu.memory_space<vmem>>, vector<16xi32>,
      tpu.vector_store %arg7[%swap3A_87], %max3A_86 {strides = array<i32>} : memref<2176xi32, #tpu.memory_space<vmem>>, vector<16xi32>,
      %while3A_89 = arith.constant 0 : i32
      scf.yield %while3A_89 : i32
    }
    %while3A_35 = arith.constant 0 : i32
    %while3A_36 = arith.constant 17 : i32
    %while3A_37 = arith.constant 0 : i32
    %while3A_38 = arith.subi %while3A_36, %while3A_35 : i32
    %while3A_39 = arith.addi %while3A_35, %while3A_38 : i32
    %while3A_40 = arith.constant 1 : i32
    %while3A_41 = arith.divsi %while3A_38, %while3A_40 : i32
    %while3A_42 = arith.muli %while3A_41, %while3A_40 : i32
    %while3A_43 = arith.addi %while3A_35, %while3A_42 : i32
    %while3A_44 = arith.constant 1 : i32
    %while3A_45 = scf.for %while3A_77 = %while3A_35 to %while3A_43 step %while3A_44 iter_args(%while3A_78 = %while3A_37) -> (i32)  : i32 {
      %mul3A_79 = arith.constant 128 : i32
      %mul3A_80 = arith.muli %while3A_77, %mul3A_79 : i32
      %mul3A_81 = arith.constant 128 : i32
      %mul3A_82 = arith.muli %while3A_77, %mul3A_81 : i32
      %dma_start3A = tpu.memref_slice %arg8[%mul3A_82] : memref<2176xf32, #tpu.memory_space<vmem>> -> memref<128xf32, #tpu.memory_space<vmem>>
      %dma_start3A_83 = tpu.memref_slice %arg7[%mul3A_80] : memref<2176xi32, #tpu.memory_space<vmem>> -> memref<128xi32, #tpu.memory_space<vmem>>
      %dma_start3A_84 = arith.constant 0 : i32
      %dma_start3A_85 = tpu.memref_slice %arg3[%dma_start3A_84] : memref<4194304xf32, #tpu.memory_space<hbm>> -> memref<4194304xf32, #tpu.memory_space<hbm>>
      tpu.enqueue_indirect_dma source(%dma_start3A_85 : memref<4194304xf32, #tpu.memory_space<hbm>>) target(%dma_start3A : memref<128xf32, #tpu.memory_space<vmem>>) offsets(%dma_start3A_83 : memref<128xi32, #tpu.memory_space<vmem>>) semaphore(%arg12 : memref<!tpu.dma_semaphore, #tpu.memory_space<semaphore_mem>>)
      %while3A_86 = arith.constant 0 : i32
      scf.yield %while3A_86 : i32
    }
    %while3A_46 = arith.constant 1 : i32
    %while3A_47 = scf.for %while3A_77 = %while3A_43 to %while3A_39 step %while3A_46 iter_args(%while3A_78 = %while3A_45) -> (i32)  : i32 {
      %mul3A_79 = arith.constant 128 : i32
      %mul3A_80 = arith.muli %while3A_77, %mul3A_79 : i32
      %mul3A_81 = arith.constant 128 : i32
      %mul3A_82 = arith.muli %while3A_77, %mul3A_81 : i32
      %dma_start3A = tpu.memref_slice %arg8[%mul3A_82] : memref<2176xf32, #tpu.memory_space<vmem>> -> memref<128xf32, #tpu.memory_space<vmem>>
      %dma_start3A_83 = tpu.memref_slice %arg7[%mul3A_80] : memref<2176xi32, #tpu.memory_space<vmem>> -> memref<128xi32, #tpu.memory_space<vmem>>
      %dma_start3A_84 = arith.constant 0 : i32
      %dma_start3A_85 = tpu.memref_slice %arg3[%dma_start3A_84] : memref<4194304xf32, #tpu.memory_space<hbm>> -> memref<4194304xf32, #tpu.memory_space<hbm>>
      tpu.enqueue_indirect_dma source(%dma_start3A_85 : memref<4194304xf32, #tpu.memory_space<hbm>>) target(%dma_start3A : memref<128xf32, #tpu.memory_space<vmem>>) offsets(%dma_start3A_83 : memref<128xi32, #tpu.memory_space<vmem>>) semaphore(%arg12 : memref<!tpu.dma_semaphore, #tpu.memory_space<semaphore_mem>>)
      %while3A_86 = arith.constant 0 : i32
      scf.yield %while3A_86 : i32
    }
    %while3A_48 = arith.constant 0 : i32
    %while3A_49 = arith.constant 17 : i32
    %while3A_50 = arith.constant 0 : i32
    %while3A_51 = arith.subi %while3A_49, %while3A_48 : i32
    %while3A_52 = arith.addi %while3A_48, %while3A_51 : i32
    %while3A_53 = arith.constant 1 : i32
    %while3A_54 = arith.divsi %while3A_51, %while3A_53 : i32
    %while3A_55 = arith.muli %while3A_54, %while3A_53 : i32
    %while3A_56 = arith.addi %while3A_48, %while3A_55 : i32
    %while3A_57 = arith.constant 1 : i32
    %while3A_58 = scf.for %while3A_77 = %while3A_48 to %while3A_56 step %while3A_57 iter_args(%while3A_78 = %while3A_50) -> (i32)  : i32 {
      %mul3A_79 = arith.constant 128 : i32
      %mul3A_80 = arith.muli %while3A_77, %mul3A_79 : i32
      %mul3A_81 = arith.constant 128 : i32
      %mul3A_82 = arith.muli %while3A_77, %mul3A_81 : i32
      %dma_wait3A = tpu.memref_slice %arg8[%mul3A_82] : memref<2176xf32, #tpu.memory_space<vmem>> -> memref<128xf32, #tpu.memory_space<vmem>>
      %dma_wait3A_83 = tpu.memref_slice %arg7[%mul3A_80] : memref<2176xi32, #tpu.memory_space<vmem>> -> memref<128xi32, #tpu.memory_space<vmem>>
      %dma_wait3A_84 = arith.constant 0 : i32
      %dma_wait3A_85 = tpu.memref_slice %arg3[%dma_wait3A_84] : memref<4194304xf32, #tpu.memory_space<hbm>> -> memref<4194304xf32, #tpu.memory_space<hbm>>
      tpu.wait_indirect_dma semaphore(%arg12 : memref<!tpu.dma_semaphore, #tpu.memory_space<semaphore_mem>>) src(%dma_wait3A_85 : memref<4194304xf32, #tpu.memory_space<hbm>>) dst(%dma_wait3A : memref<128xf32, #tpu.memory_space<vmem>>)
      %while3A_86 = arith.constant 0 : i32
      scf.yield %while3A_86 : i32
    }
    %while3A_59 = arith.constant 1 : i32
    %while3A_60 = scf.for %while3A_77 = %while3A_56 to %while3A_52 step %while3A_59 iter_args(%while3A_78 = %while3A_58) -> (i32)  : i32 {
      %mul3A_79 = arith.constant 128 : i32
      %mul3A_80 = arith.muli %while3A_77, %mul3A_79 : i32
      %mul3A_81 = arith.constant 128 : i32
      %mul3A_82 = arith.muli %while3A_77, %mul3A_81 : i32
      %dma_wait3A = tpu.memref_slice %arg8[%mul3A_82] : memref<2176xf32, #tpu.memory_space<vmem>> -> memref<128xf32, #tpu.memory_space<vmem>>
      %dma_wait3A_83 = tpu.memref_slice %arg7[%mul3A_80] : memref<2176xi32, #tpu.memory_space<vmem>> -> memref<128xi32, #tpu.memory_space<vmem>>
      %dma_wait3A_84 = arith.constant 0 : i32
      %dma_wait3A_85 = tpu.memref_slice %arg3[%dma_wait3A_84] : memref<4194304xf32, #tpu.memory_space<hbm>> -> memref<4194304xf32, #tpu.memory_space<hbm>>
      tpu.wait_indirect_dma semaphore(%arg12 : memref<!tpu.dma_semaphore, #tpu.memory_space<semaphore_mem>>) src(%dma_wait3A_85 : memref<4194304xf32, #tpu.memory_space<hbm>>) dst(%dma_wait3A : memref<128xf32, #tpu.memory_space<vmem>>)
      %while3A_86 = arith.constant 0 : i32
      scf.yield %while3A_86 : i32
    }
    %broadcast_in_dim3A_61 = arith.constant 0.000000e+00 : f32
    %broadcast_in_dim3A_62 = vector.broadcast %broadcast_in_dim3A_61 : f32 to vector<16xf32>
    %while3A_63 = arith.constant 17 : i32
    %while3A_64 = arith.constant 0 : i32
    %while3A_65 = arith.constant 128 : i32
    %while3A_66 = arith.constant 0 : i32
    %while3A_67 = arith.subi %while3A_65, %while3A_64 : i32
    %while3A_68 = arith.addi %while3A_64, %while3A_67 : i32
    %while3A_69 = arith.constant 1 : i32
    %while3A_70 = arith.divsi %while3A_67, %while3A_69 : i32
    %while3A_71 = arith.muli %while3A_70, %while3A_69 : i32
    %while3A_72 = arith.addi %while3A_64, %while3A_71 : i32
    %while3A_73 = arith.constant 1 : i32
    %while3A_74 = scf.for %while3A_77 = %while3A_64 to %while3A_72 step %while3A_73 iter_args(%while3A_78 = %while3A_66) -> (i32)  : i32 {
      %mul3A_79 = arith.constant 16 : i32
      %mul3A_80 = arith.muli %while3A_77, %mul3A_79 : i32
      %get3A = arith.index_cast %mul3A_80 : i32 to index
      %get3A_81 = tpu.vector_load %arg6[%get3A] {strides = array<i32>} : memref<2176xi32, #tpu.memory_space<vmem>>, vector<16xi32>,
      %bitcast3A = vector.bitcast %get3A_81 : vector<16xi32> to vector<16xi32>
      %add3A_82 = arith.constant 1 : i32
      %add3A_83 = arith.addi %mul3A_80, %add3A_82 : i32
      %get3A_84 = arith.index_cast %add3A_83 : i32 to index
      %get3A_85 = tpu.vector_load %arg6[%get3A_84] {strides = array<i32>} : memref<2176xi32, #tpu.memory_space<vmem>>, vector<16xi32>,
      %bitcast3A_86 = vector.bitcast %get3A_85 : vector<16xi32> to vector<16xi32>
      %get3A_87 = arith.index_cast %mul3A_80 : i32 to index
      %get3A_88 = tpu.vector_load %arg8[%get3A_87] {strides = array<i32>} : memref<2176xf32, #tpu.memory_space<vmem>>, vector<16xf32>,
      %add3A_89 = arith.constant 1 : i32
      %add3A_90 = arith.addi %mul3A_80, %add3A_89 : i32
      %get3A_91 = arith.index_cast %add3A_90 : i32 to index
      %get3A_92 = tpu.vector_load %arg8[%get3A_91] {strides = array<i32>} : memref<2176xf32, #tpu.memory_space<vmem>>, vector<16xf32>,
      %sub3A_93 = arith.constant 1 : i32
      %sub3A_94 = vector.broadcast %sub3A_93 : i32 to vector<16xi32>
      %sub3A_95 = arith.subi %bitcast3A, %sub3A_94 : vector<16xi32>
      %max3A = arith.constant 0 : i32
      %max3A_96 = vector.broadcast %max3A : i32 to vector<16xi32>
      %max3A_97 = arith.maxsi %sub3A_95, %max3A_96 : vector<16xi32>
      %sub3A_98 = arith.constant 1 : i32
      %sub3A_99 = vector.broadcast %sub3A_98 : i32 to vector<16xi32>
      %sub3A_100 = arith.subi %bitcast3A_86, %sub3A_99 : vector<16xi32>
      %max3A_101 = arith.constant 0 : i32
      %max3A_102 = vector.broadcast %max3A_101 : i32 to vector<16xi32>
      %max3A_103 = arith.maxsi %sub3A_100, %max3A_102 : vector<16xi32>
      %shift_right_logical3A = vector.broadcast %while3A_63 : i32 to vector<16xi32>
      %shift_right_logical3A_104 = arith.shrui %max3A_97, %shift_right_logical3A : vector<16xi32>
      %gather3A_105 = tpu.vector_load_idx %arg10[%shift_right_logical3A_104] : memref<32xf32, #tpu.memory_space<vmem>>[vector<16xi32>], vector<16xf32>,
      %shift_right_logical3A_106 = vector.broadcast %while3A_63 : i32 to vector<16xi32>
      %shift_right_logical3A_107 = arith.shrui %max3A_103, %shift_right_logical3A_106 : vector<16xi32>
      %gather3A_108 = tpu.vector_load_idx %arg10[%shift_right_logical3A_107] : memref<32xf32, #tpu.memory_space<vmem>>[vector<16xi32>], vector<16xf32>,
      %gt3A = arith.constant 0 : i32
      %gt3A_109 = vector.broadcast %gt3A : i32 to vector<16xi32>
      %gt3A_110 = arith.cmpi sgt, %bitcast3A, %gt3A_109 : vector<16xi32>
      %add3A_111 = arith.addf %get3A_88, %gather3A_105 : vector<16xf32>
      %select_n3A = arith.select %gt3A_110, %add3A_111, %broadcast_in_dim3A_62 : vector<16xi1>, vector<16xf32>
      %gt3A_112 = arith.constant 0 : i32
      %gt3A_113 = vector.broadcast %gt3A_112 : i32 to vector<16xi32>
      %gt3A_114 = arith.cmpi sgt, %bitcast3A_86, %gt3A_113 : vector<16xi32>
      %add3A_115 = arith.addf %get3A_92, %gather3A_108 : vector<16xf32>
      %select_n3A_116 = arith.select %gt3A_114, %add3A_115, %broadcast_in_dim3A_62 : vector<16xi1>, vector<16xf32>
      %sub3A_117 = arith.subf %select_n3A_116, %select_n3A : vector<16xf32>
      %swap3A_118 = arith.index_cast %mul3A_80 : i32 to index
      %swap3A_119 = tpu.vector_load %arg11[%swap3A_118] {strides = array<i32>} : memref<2048xf32, #tpu.memory_space<vmem>>, vector<16xf32>,
      tpu.vector_store %arg11[%swap3A_118], %sub3A_117 {strides = array<i32>} : memref<2048xf32, #tpu.memory_space<vmem>>, vector<16xf32>,
      %while3A_120 = arith.constant 0 : i32
      scf.yield %while3A_120 : i32
    }
    %while3A_75 = arith.constant 1 : i32
    %while3A_76 = scf.for %while3A_77 = %while3A_72 to %while3A_68 step %while3A_75 iter_args(%while3A_78 = %while3A_74) -> (i32)  : i32 {
      %mul3A_79 = arith.constant 16 : i32
      %mul3A_80 = arith.muli %while3A_77, %mul3A_79 : i32
      %get3A = arith.index_cast %mul3A_80 : i32 to index
      %get3A_81 = tpu.vector_load %arg6[%get3A] {strides = array<i32>} : memref<2176xi32, #tpu.memory_space<vmem>>, vector<16xi32>,
      %bitcast3A = vector.bitcast %get3A_81 : vector<16xi32> to vector<16xi32>
      %add3A_82 = arith.constant 1 : i32
      %add3A_83 = arith.addi %mul3A_80, %add3A_82 : i32
      %get3A_84 = arith.index_cast %add3A_83 : i32 to index
      %get3A_85 = tpu.vector_load %arg6[%get3A_84] {strides = array<i32>} : memref<2176xi32, #tpu.memory_space<vmem>>, vector<16xi32>,
      %bitcast3A_86 = vector.bitcast %get3A_85 : vector<16xi32> to vector<16xi32>
      %get3A_87 = arith.index_cast %mul3A_80 : i32 to index
      %get3A_88 = tpu.vector_load %arg8[%get3A_87] {strides = array<i32>} : memref<2176xf32, #tpu.memory_space<vmem>>, vector<16xf32>,
      %add3A_89 = arith.constant 1 : i32
      %add3A_90 = arith.addi %mul3A_80, %add3A_89 : i32
      %get3A_91 = arith.index_cast %add3A_90 : i32 to index
      %get3A_92 = tpu.vector_load %arg8[%get3A_91] {strides = array<i32>} : memref<2176xf32, #tpu.memory_space<vmem>>, vector<16xf32>,
      %sub3A_93 = arith.constant 1 : i32
      %sub3A_94 = vector.broadcast %sub3A_93 : i32 to vector<16xi32>
      %sub3A_95 = arith.subi %bitcast3A, %sub3A_94 : vector<16xi32>
      %max3A = arith.constant 0 : i32
      %max3A_96 = vector.broadcast %max3A : i32 to vector<16xi32>
      %max3A_97 = arith.maxsi %sub3A_95, %max3A_96 : vector<16xi32>
      %sub3A_98 = arith.constant 1 : i32
      %sub3A_99 = vector.broadcast %sub3A_98 : i32 to vector<16xi32>
      %sub3A_100 = arith.subi %bitcast3A_86, %sub3A_99 : vector<16xi32>
      %max3A_101 = arith.constant 0 : i32
      %max3A_102 = vector.broadcast %max3A_101 : i32 to vector<16xi32>
      %max3A_103 = arith.maxsi %sub3A_100, %max3A_102 : vector<16xi32>
      %shift_right_logical3A = vector.broadcast %while3A_63 : i32 to vector<16xi32>
      %shift_right_logical3A_104 = arith.shrui %max3A_97, %shift_right_logical3A : vector<16xi32>
      %gather3A_105 = tpu.vector_load_idx %arg10[%shift_right_logical3A_104] : memref<32xf32, #tpu.memory_space<vmem>>[vector<16xi32>], vector<16xf32>,
      %shift_right_logical3A_106 = vector.broadcast %while3A_63 : i32 to vector<16xi32>
      %shift_right_logical3A_107 = arith.shrui %max3A_103, %shift_right_logical3A_106 : vector<16xi32>
      %gather3A_108 = tpu.vector_load_idx %arg10[%shift_right_logical3A_107] : memref<32xf32, #tpu.memory_space<vmem>>[vector<16xi32>], vector<16xf32>,
      %gt3A = arith.constant 0 : i32
      %gt3A_109 = vector.broadcast %gt3A : i32 to vector<16xi32>
      %gt3A_110 = arith.cmpi sgt, %bitcast3A, %gt3A_109 : vector<16xi32>
      %add3A_111 = arith.addf %get3A_88, %gather3A_105 : vector<16xf32>
      %select_n3A = arith.select %gt3A_110, %add3A_111, %broadcast_in_dim3A_62 : vector<16xi1>, vector<16xf32>
      %gt3A_112 = arith.constant 0 : i32
      %gt3A_113 = vector.broadcast %gt3A_112 : i32 to vector<16xi32>
      %gt3A_114 = arith.cmpi sgt, %bitcast3A_86, %gt3A_113 : vector<16xi32>
      %add3A_115 = arith.addf %get3A_92, %gather3A_108 : vector<16xf32>
      %select_n3A_116 = arith.select %gt3A_114, %add3A_115, %broadcast_in_dim3A_62 : vector<16xi1>, vector<16xf32>
      %sub3A_117 = arith.subf %select_n3A_116, %select_n3A : vector<16xf32>
      %swap3A_118 = arith.index_cast %mul3A_80 : i32 to index
      %swap3A_119 = tpu.vector_load %arg11[%swap3A_118] {strides = array<i32>} : memref<2048xf32, #tpu.memory_space<vmem>>, vector<16xf32>,
      tpu.vector_store %arg11[%swap3A_118], %sub3A_117 {strides = array<i32>} : memref<2048xf32, #tpu.memory_space<vmem>>, vector<16xf32>,
      %while3A_120 = arith.constant 0 : i32
      scf.yield %while3A_120 : i32
    }
    "tpu.region"() ({
      %run_scoped3A = tpu.sem_alloc : memref<!tpu.dma_semaphore, #tpu.memory_space<semaphore_mem>>
      %dma_start3A = tpu.memref_slice %arg5[%mul3A_2] : memref<65536xf32, #tpu.memory_space<hbm>> -> memref<2048xf32, #tpu.memory_space<hbm>>
      %dma_start3A_77 = tpu.memref_slice %arg5[%mul3A_2] : memref<65536xf32, #tpu.memory_space<hbm>> -> memref<2048xf32, #tpu.memory_space<hbm>>
      tpu.enqueue_dma source(%arg11 : memref<2048xf32, #tpu.memory_space<vmem>>) target(%dma_start3A_77 : memref<2048xf32, #tpu.memory_space<hbm>>) target_semaphore(%run_scoped3A : memref<!tpu.dma_semaphore, #tpu.memory_space<semaphore_mem>>)
      %dma_wait3A = tpu.memref_slice %arg5[%mul3A_2] : memref<65536xf32, #tpu.memory_space<hbm>> -> memref<2048xf32, #tpu.memory_space<hbm>>
      %dma_wait3A_78 = tpu.memref_slice %arg5[%mul3A_2] : memref<65536xf32, #tpu.memory_space<hbm>> -> memref<2048xf32, #tpu.memory_space<hbm>>
      tpu.wait_dma2 semaphore(%run_scoped3A : memref<!tpu.dma_semaphore, #tpu.memory_space<semaphore_mem>>) src(%arg11 : memref<2048xf32, #tpu.memory_space<vmem>>) dst(%dma_wait3A_78 : memref<2048xf32, #tpu.memory_space<hbm>>)
      tpu.yield
    }) : () -> ()
    return
  }
}

</mosaic_0001>

<sc_bundles>
// kernel: kernel.4.cloned.1.call-start
scs
__scs_entry_jumppad:
0x0: {  	(pc) =	sbr.rel $0x88, $3  }
0x1: {  	(tag) =	ssettag $0x0;
	lr =	simm.s32 $0x1  }
0x2: {  	[smem:$0x3F9D] =	sst lr;
	_ =	strace $0xD0000000  }
0x3: {  	_ = 	snop  }
0x4: {  	_ = 	snop  }
0x5: {  	_ = 	snop  }
0x6: {  	_ = 	snop  }
0x7: {  	_ = 	snop  }
__scs_overlays_trampoline_lowered:
0x8: {  	[smem:$0x3FAC] =	sst s0  }
0x9: {  	[smem:$0x3FAD] =	sst s1  }
0xa: {  	[smem:$0x3FAE] =	sst s2  }
0xb: {  	[smem:$0x3FAF] =	sst s3  }
0xc: {  	[smem:$0x3FB0] =	sst s4  }
0xd: {  	[smem:$0x3FB1] =	sst s5  }
0xe: {  	[smem:$0x3FB2] =	sst s6  }
0xf: {  	[smem:$0x3FB3] =	sst s7  }
0x10: {  	[smem:$0x3FB4] =	sst s8  }
0x11: {  	[smem:$0x3FB5] =	sst s9;
	s0 =	simm.s32 @!p0 $0x0  }
0x12: {  	s1 =	sld [smem:$0x3F9B];
	s0 =	simm.s32 @p0 $0x1  }
0x13: {  	[smem:$0x3FB6] =	sst s0;
	s0 =	simm.s32 @!p1 $0x0  }
0x14: {  	s2 =	sld [smem:$0x3F9A];
	s0 =	simm.s32 @p1 $0x1  }
0x15: {  	[smem:$0x3FB7] =	sst s0;
	s0 =	simm.s32 @!p2 $0x0  }
0x16: {  	s3 =	sld [smem:$0x3FDB];
	s0 =	simm.s32 @p2 $0x1  }
0x17: {  	s4 =	simm.s32 $0x1BF5;
	[smem:$0x3FB9] =	sst s0  }
0x18: {  	s0 =	sld [smem:$0x3F9C];
	_ =	swait.ge [sflag:s4], $0x0  }
0x19: {  	s7 =	sld [smem:$0x3F9D]  }
0x1a: {  	s8 =	sadd.s32 $0xFFFFE003, lr  }
0x1b: {  	s9 =	sadd.s32 $0xFFFFFEF7, lr;
	s5 =	simm.s32 $0xFFFFFFFF;
	p2 =	slt.u32 s8, $0xFFFFF086  }
0x1c: {  	p1 =	slt.u32 s9, $0xF7A;
	s5 =	simm.s32 @!p2 $0x0  }
0x1d: {  	s5 =	simm.s32 @p1 $0x1;
	p0 =	seq.s32 s7, s2  }
0x1e: {  	s7 =	smul.u32 @!p0 $0xF7A, s2;
	p2 =	seq.s32 @!p0 s5, $0x0  }
0x1f: {  	s9 =	smul.u32 $0xF7A, s1;
	s8 =	simm.s32 @!p0 $0x1BF5;
	p2 =	por !p2, p0  }
0x20: {  	[sflag:s8] =	ssyncset.s32 @!p0 $0xFFFFF086;
	s6 =	sadd.s32 @!p0 s3, s7;
	s7 =	simm.s32 @!p0 $0x108  }
0x21: {  	s3 =	sadd.s32 s3, s9;
	s6 =	sadd.s32 @!p0 $0x88, s6;
	s7 =	simm.s32 @p2 $0x1082  }
0x22: {  	[simem:s7], [sflag:s8] =	dma.local @!p0 [hbm:s6], $0xF7A  }
0x23: {  	s9 =	sor.u32 $0xD0000000, s2;
	s6 =	simm.s32 $0x108;
	_ =	swait.ge @!p0 [sflag:s8], $0x0  }
0x24: {  	s3 =	sadd.s32 $0x88, s3;
	s6 =	simm.s32 @!p1 $0x1082;
	[sflag:s4] =	ssyncset.s32 $0xFFFFF086  }
0x25: {  	[simem:s6], [sflag:s4] =	dma.local [hbm:s3], $0xF7A  }
0x26: {  	[smem:$0x3F9D] =	sst s1;
	(tag) =	ssettag s2;
	_ =	strace s9  }
0x27: {  	s1 =	sld [smem:$0x3FAD]  }
0x28: {  	s2 =	sld [smem:$0x3FAE]  }
0x29: {  	s4 =	sld [smem:$0x3FB0]  }
0x2a: {  	p0 =	seq.s32 s5, $0x0;
	s5 =	sld [smem:$0x3FB1]  }
0x2b: {  	s6 =	sld [smem:$0x3FB2]  }
0x2c: {  	s7 =	sld [smem:$0x3FB3]  }
0x2d: {  	s3 =	simm.s32 $0x108;
	s8 =	sld [smem:$0x3FB4]  }
0x2e: {  	s3 =	simm.s32 @!p0 $0x1082;
	s9 =	sld [smem:$0x3FB5]  }
0x2f: {  	lr =	sadd.s32 s0, s3;
	s0 =	sld [smem:$0x3FAC]  }
0x30: {  	s3 =	sld [smem:$0x3FAF]  }
0x31: {  	[smem:$0x3FB8] =	sst s10  }
0x32: {  	s10 =	sld [smem:$0x3FB6];
	_ =	sdelay $0x3  }
0x33: {  	p0 =	seq.s32 s10, $0x1;
	s10 =	sld [smem:$0x3FB8];
	_ =	sdelay $0x3  }
0x34: {  	[smem:$0x3FB8] =	sst s10  }
0x35: {  	s10 =	sld [smem:$0x3FB7];
	_ =	sdelay $0x3  }
0x36: {  	p1 =	seq.s32 s10, $0x1;
	s10 =	sld [smem:$0x3FB8];
	_ =	sdelay $0x3  }
0x37: {  	[smem:$0x3FB8] =	sst s10  }
0x38: {  	s10 =	sld [smem:$0x3FB9]  }
0x39: {  	_ = 	snop;
	(pc) =	sbr.ind lr, $3  }
0x3a: {  	_ = 	snop  }
0x3b: {  	_ = 	snop  }
0x3c: {  	p2 =	seq.s32 s10, $0x1;
	s10 =	sld [smem:$0x3FB8]  }
0x3d: {  	_ =	shalt  }
0x3e: {  	_ =	shalt  }
0x3f: {  	_ =	shalt  }
0x40: {  	_ =	shalt  }
0x41: {  	_ =	shalt  }
0x42: {  	_ =	shalt  }
0x43: {  	_ =	shalt  }
0x44: {  	_ =	shalt  }
0x45: {  	_ =	shalt  }
0x46: {  	_ =	shalt  }
0x47: {  	_ =	shalt  }
0x48: {  	_ =	shalt  }
0x49: {  	_ =	shalt  }
0x4a: {  	_ =	shalt  }
0x4b: {  	_ =	shalt  }
0x4c: {  	_ =	shalt  }
0x4d: {  	_ =	shalt  }
0x4e: {  	_ =	shalt  }
0x4f: {  	_ =	shalt  }
0x50: {  	_ =	shalt  }
0x51: {  	_ =	shalt  }
0x52: {  	_ =	shalt  }
0x53: {  	_ =	shalt  }
0x54: {  	_ =	shalt  }
0x55: {  	_ =	shalt  }
0x56: {  	_ =	shalt  }
0x57: {  	_ =	shalt  }
0x58: {  	_ =	shalt  }
0x59: {  	_ =	shalt  }
0x5a: {  	_ =	shalt  }
0x5b: {  	_ =	shalt  }
0x5c: {  	_ =	shalt  }
0x5d: {  	_ =	shalt  }
0x5e: {  	_ =	shalt  }
0x5f: {  	_ =	shalt  }
0x60: {  	_ =	shalt  }
0x61: {  	_ =	shalt  }
0x62: {  	_ =	shalt  }
0x63: {  	_ =	shalt  }
0x64: {  	_ =	shalt  }
0x65: {  	_ =	shalt  }
0x66: {  	_ =	shalt  }
0x67: {  	_ =	shalt  }
0x68: {  	_ =	shalt  }
0x69: {  	_ =	shalt  }
0x6a: {  	_ =	shalt  }
0x6b: {  	_ =	shalt  }
0x6c: {  	_ =	shalt  }
0x6d: {  	_ =	shalt  }
0x6e: {  	_ =	shalt  }
0x6f: {  	_ =	shalt  }
0x70: {  	_ =	shalt  }
0x71: {  	_ =	shalt  }
0x72: {  	_ =	shalt  }
0x73: {  	_ =	shalt  }
0x74: {  	_ =	shalt  }
0x75: {  	_ =	shalt  }
0x76: {  	_ =	shalt  }
0x77: {  	_ =	shalt  }
0x78: {  	_ =	shalt  }
0x79: {  	_ =	shalt  }
0x7a: {  	_ =	shalt  }
0x7b: {  	_ =	shalt  }
0x7c: {  	_ =	shalt  }
0x7d: {  	_ =	shalt  }
0x7e: {  	_ =	shalt  }
0x7f: {  	_ =	shalt  }
0x80: {  	_ =	shalt  }
0x81: {  	_ =	shalt  }
0x82: {  	_ =	shalt  }
0x83: {  	_ =	shalt  }
0x84: {  	_ =	shalt  }
0x85: {  	_ =	shalt  }
0x86: {  	_ =	shalt  }
0x87: {  	_ =	shalt  }
.Lfunc_end0:
.L_simem_size_0:
called_computation_lowered:
.L_overlay_start_0:
0x88: {  	s2 =	sld [smem:$0x3FD9]  }
0x89: {  	s3 =	sld [smem:$0x3FFE];
	_ =	sdelay $0x1  }
0x8a: {  	s1 =	srdreg.scid  }
0x8b: {  	s0 =	sand.u32 $0x1, s1  }
0x8c: {  	s17 =	sshll.u32 s0, $0xA;
	s2 =	sadd.s32 s3, s2  }
0x8d: {  	s2 =	sadd.s32 s2, s17  }
0x8e: {  	[smem:$0x3FC4] =	sst s2  }
0x8f: {  	_ = 	snop  }
0x90: {  	s2 =	sld [smem:$0x3FC9]  }
0x91: {  	s18 =	sld [smem:$0x3FC6];
	(tm) =	ssettm $0x1  }
0x92: {  	s4 =	sld [smem:$0x3FFB];
	_ =	sdelay $0x3  }
0x93: {  	_ =	strace s4  }
0x94: {  	s4 =	sld [smem:$0x3FFC];
	_ =	sdelay $0x3  }
0x95: {  	_ =	strace s4  }
0x96: {  	s4 =	sld [smem:$0x3FFD];
	_ =	sdelay $0x3  }
0x97: {  	_ =	strace s4  }
0x98: {  	_ =	strace $0x8FFFFFFF  }
0x99: {  	s19 =	sld [smem:$0x3FDB];
	_ =	sdelay $0x1  }
0x9a: {  	s5 =	simm.s32 $_scs_section_size  }
0x9b: {  	s6 =	simm.s32 $_size__tile_overlayer_lowered;
	s7 =	simm.s32 $_tile_overlayer_lowered  }
0x9c: {  	s22 =	simm.s32 $0x1BFF;
	s21 =	sshll.u32 s7, $0x1;
	s4 =	sadd.s32 s5, s19  }
0x9d: {  	s8 =	simm.s32 $0x0;
	s20 =	sshll.u32 s6, $0x1;
	s6 =	sadd.s32 s21, s4  }
0x9e: {  	[timem:s8], [sflag:s22] =	dma.local [hbm:s6], s20  }
0x9f: {  	_ =	swait.ge [sflag:s22], s20  }
0xa0: {  	s5 =	ssub.s32 $0x0, s20;
	[sflag:s22] =	ssyncset.done $0x0  }
0xa1: {  	[sflag:s22] =	ssyncadd.s32 s5;
	_ =	sdelay $0x1  }
0xa2: {  	s23 =	simm.s32 $0x1B8B  }
0xa3: {  	_ =	swait.ge [sflag:s23], $0x1  }
0xa4: {  	[sflag:s23] =	ssyncset.done $0x0  }
0xa5: {  	s25 =	simm.s32 $0x1B8E;
	s24 =	sld [smem:$0x3FFE];
	[sflag:s23] =	ssyncadd.s32 $0xFFFFFFFF  }
0xa6: {  	s26 =	simm.s32 $execute0_lowered;
	[smem:$0x3FD2] =	sst s25  }
0xa7: {  	s6 =	sshll.u32 s26, $0x1;
	_ =	strace $0x80000046;
	[dreg:$0x1] =	wrdreg $0xFFFFFFFF  }
0xa8: {  	s28 =	simm.s32 $_size_execute0_lowered;
	s4 =	sadd.s32 s4, s6;
	[dreg:$0x0] =	wrdreg $0x0  }
0xa9: {  	s6 =	sshll.u32 s28, $0x1;
	[dreg:$0x2] =	wrdreg s4  }
0xaa: {  	[dreg:$0x3] =	wrdreg s6  }
0xab: {  	[dreg:$0x4] =	wrdreg $0xC0  }
0xac: {  	_ =	task [dreg:s8], $0x5FFFF  }
0xad: {  	[dreg:$0x1] =	wrdreg $0xFFFFFFFF  }
0xae: {  	[dreg:$0x0] =	wrdreg $0x60  }
0xaf: {  	[dreg:$0x2] =	wrdreg s2  }
0xb0: {  	[dreg:$0x3] =	wrdreg s24  }
0xb1: {  	[dreg:$0x4] =	wrdreg s18  }
0xb2: {  	[dreg:$0x5] =	wrdreg $0x9  }
0xb3: {  	_ =	task.clear_ibuf [dreg:s8], $0x6FFFF;
	_ =	strace $0x90000046  }
0xb4: {  	s29 =	simm.s32 $0x9;
	_ =	strace $0x80000048  }
0xb5: {  	_ =	swait.ge [sflag:s29], $0x1  }
0xb6: {  	[sflag:s29] =	ssyncadd.s32 $0xFFFFFFFF  }
0xb7: {  	_ =	strace $0x90000048  }
0xb8: {  	_ =	sfence  }
0xb9: {  	s30 =	sld [smem:$0x0];
	_ =	sdelay $0x2  }
0xba: {  	s31 =	sshll.u32 s1, $0xD;
	s1 =	sshrl.u32 s1, $0x2  }
0xbb: {  	s3 =	sand.u32 $0x4000, s31;
	s1 =	sadd.s32 s1, s30  }
0xbc: {  	s0 =	sor.u32 s3, s0;
	s1 =	sshll.u32 s1, $0x11  }
0xbd: {  	s0 =	sor.u32 s1, s0  }
0xbe: {  	s0 =	sadd.s32 $0x8F2B, s0  }
0xbf: {  	[sflag:s0] =	ssyncadd.remote.s32 $0x1  }
0xc0: {  	_ =	sfence.sel $0xFFFF  }
0xc1: {  	[dreg:$0x0] =	wrdreg $0xFFFFFFFF;
	(pc) =	sbr.abs _section_cstart, $3  }
0xc2: {  	[dreg:$0x1] =	wrdreg $0xFFFFFFFF  }
0xc3: {  	_ =	task.clear_ibuf [dreg:s8], $0x2FFFF;
	_ =	strace $0x9FFFFFFF  }
0xc4: {  	(tm) =	ssettm $0x7FFFFFFF  }
0xc5: {  	_ =	shalt  }
tec
execute0_lowered:
.L_overlay_start_1:
0x0: {  	(tag) =	ssettag $0x1  }
0x1: {  	s1 =	rddreg [dreg:$0x0]  }
0x2: {  	s0 =	rddreg [dreg:$0x1]  }
0x3: {  	s4 =	simm.s32 $0x0;
	s2 =	srdreg.scid;
	s3 =	stileid.u32  }
0x4: {  	s19 =	simm.s32 $0x16000;
	s20 =	simm.s32 $0x5;
	s21 =	simm.s32 $0x1  }
0x5: {  	s22 =	simm.s32 $0x18000;
	s23 =	simm.s32 $0x2;
	s24 =	simm.s32 $0x1A000  }
0x6: {  	s25 =	simm.s32 $0x3;
	s26 =	simm.s32 $0x4;
	s28 =	simm.s32 $0x1C000  }
0x7: {  	s29 =	simm.s32 $0x0;
	[smem:$0x7FF] =	sst s4;
	s2 =	sand.u32 $0x1, s2  }
0x8: {  	s3 =	sshll.u32 s3, $0x1;
	s5 =	sadd.s32 $0xC00, s0;
	s6 =	sadd.s32 $0x80C00, s0  }
0x9: {  	_ =	strace $0x80000047;
	s3 =	sor.u32 s2, s3;
	s2 =	ssub.s32 $0x2, s2  }
0xa: {  	s7 =	sshll.u32 s3, $0x1;
	s30 =	sshrl.u32 s2, $0x1;
	s9 =	sshll.u32 s3, $0xE  }
0xb: {  	s0 =	sadd.s32 s7, s0;
	s2 =	ssub.s32 s2, s30;
	s7 =	sshll.u32 s3, $0x11  }
0xc: {  	s31 =	sor.u32 $0x400, s9;
	s8 =	sadd.s32 s1, s9;
	s9 =	sadd.s32 s5, s9  }
0xd: {  	s10 =	sadd.s32 s1, s31;
	s11 =	sadd.s32 s5, s31;
	s12 =	sor.u32 $0x4000, s7  }
0xe: {  	v0 =	vimm.s32 $0xF;
	s13 =	sor.u32 $0x6000, s7;
	s14 =	sadd.s32 $0x100C00, s0;
	s15 =	smax.u32 s2, $0x1  }
.LBB2_1:
0xf: {  	s0 =	simm.s32 $0x10000  }
0x10: {  	[tilespmem:s0], [sflag:$0x1] =	stream.linear.gather [hbm4b:s8+s4], $0x2000, $0x38;
	[tilespmem:$0x1C080] =	vst v63  }
0x11: {  	s17 =	simm.s32 $0x12000  }
0x12: {  	[tilespmem:s17], [sflag:$0x1] =	stream.linear.gather [hbm4b:s9+s4], $0x2000, $0x38;
	[tilespmem:$0x1C080] =	vst v63  }
0x13: {  	s18 =	simm.s32 $0x14000  }
0x14: {  	[tilespmem:s18], [sflag:$0x2] =	stream.linear.gather [hbm4b:s10+s4], $0x2000, $0x38;
	[tilespmem:$0x1C080] =	vst v63  }
0x15: {  	_ = 	snop  }
0x16: {  	[tilespmem:s19], [sflag:$0x2] =	stream.linear.gather [hbm4b:s11+s4], $0x2000, $0x38;
	[tilespmem:$0x1C080] =	vst v63  }
0x17: {  	s31 =	rddreg [dreg:$0x2]  }
0x18: {  	[tilespmem:s4], [sflag:$0x5] =	stream.linear.gather [hbm4b:s31+s4], $0x10000, $0x38;
	[tilespmem:$0x1C080] =	vst v63  }
0x19: {  	_ =	swait.ge [sflag:s20], $0x10000  }
0x1a: {  	[sflag:s20] =	ssyncset.done $0x0  }
0x1b: {  	v2 =	vimm.f32 $0.0e+00;
	s30 =	simm.s32 $0x0;
	[sflag:s20] =	ssyncadd.s32 $0xFFFF0000  }
.LBB2_2:
0x1c: {  	p1 =	seq.s32 s30, $0x0  }
0x1d: {  	s0 =	simm.s32 @!p1 $0x3  }
0x1e: {  	_ =	swait.ge @!p1 [sflag:s0], $0x2000  }
0x1f: {  	[sflag:s0] =	ssyncset.done @!p1 $0x0  }
0x20: {  	[sflag:s0] =	ssyncadd.s32 @!p1 $0xFFFFE000  }
0x21: {  	_ =	swait.ge [sflag:s21], $0x2000  }
0x22: {  	[sflag:s21] =	ssyncset.done $0x0  }
0x23: {  	[sflag:s21] =	ssyncadd.s32 $0xFFFFE000  }
0x24: {  	_ =	swait.ge [sflag:s21], $0x2000  }
0x25: {  	[sflag:s21] =	ssyncset.done $0x0  }
0x26: {  	s18 =	simm.s32 $0x12040;
	[sflag:s21] =	ssyncadd.s32 $0xFFFFE000  }
0x27: {  	v1 =	vld [tilespmem:s18+$0xFFFFFFC0]  }
0x28: {  	v3 =	vld [tilespmem:s18+$0x10]  }
0x29: {  	v4 =	vld [tilespmem:s18+$0xFFFFFFD0]  }
0x2a: {  	v5 =	vld [tilespmem:s18+$0x20]  }
0x2b: {  	s2 =	simm.s32 $0x10040;
	v6 =	vld [tilespmem:s18+$0xFFFFFFE0]  }
0x2c: {  	v7 =	vld [tilespmem:s2+$0xFFFFFFF0]  }
0x2d: {  	v8 =	vld [tilespmem:s18+$0xFFFFFFF0]  }
0x2e: {  	v9 =	vld [tilespmem:s18+$0x0]  }
0x2f: {  	v10 =	vld [tilespmem:s2+$0xFFFFFFC0]  }
0x30: {  	v11 =	vld [tilespmem:s2+$0xFFFFFFD0]  }
0x31: {  	v12 =	vld [tilespmem:s2+$0xFFFFFFE0]  }
0x32: {  	v13 =	vld [tilespmem:s2+$0x30]  }
0x33: {  	v14 =	vld [tilespmem:s2+$0x20]  }
0x34: {  	v15 =	vld [tilespmem:s2+$0x10]  }
0x35: {  	s3 =	simm.s32 $0x100C0;
	v1 =	vld.idx.msk [tilespmem:v1+s4+$0x0], $0xffff  }
0x36: {  	v18 =	vld [tilespmem:s3+$0xFFFFFFC0]  }
0x37: {  	v4 =	vld.idx.msk [tilespmem:v4+s4+$0x0], $0xffff  }
0x38: {  	v20 =	vld [tilespmem:s3+$0xFFFFFFD0]  }
0x39: {  	v6 =	vld.idx.msk [tilespmem:v6+s4+$0x0], $0xffff  }
0x3a: {  	v23 =	vld [tilespmem:s3+$0xFFFFFFE0];
	v1 =	vmul.f32 v1, v10  }
0x3b: {  	v8 =	vld.idx.msk [tilespmem:v8+s4+$0x0], $0xffff  }
0x3c: {  	v9 =	vld.idx.msk [tilespmem:v9+s4+$0x0], $0xffff;
	v4 =	vmul.f32 v4, v11;
	(xrf2) =	vadd.scan.msk.f32 $0xffff, v1  }
0x3d: {  	v10 =	vld [tilespmem:s2+$0x0]  }
0x3e: {  	v11 =	vld [tilespmem:s18+$0x30];
	v1 =	vmul.f32 v6, v12;
	(xrf2) =	vadd.scan.msk.f32 $0xffff, v4  }
0x3f: {  	v3 =	vld.idx.msk [tilespmem:v3+s4+$0x0], $0xffff  }
0x40: {  	s2 =	simm.s32 $0x120C0;
	v6 =	vmul.f32 v8, v7;
	v4 =	vld.idx.msk [tilespmem:v5+s4+$0x0], $0xffff;
	(xrf2) =	vadd.scan.msk.f32 $0xffff, v1  }
0x41: {  	v5 =	vld [tilespmem:s2+$0xFFFFFFC0]  }
0x42: {  	v16 =	vld [tilespmem:s2+$0x10];
	v8 =	vmul.f32 v9, v10;
	(xrf2) =	vadd.scan.msk.f32 $0xffff, v6  }
0x43: {  	v7 =	vld [tilespmem:s2+$0xFFFFFFD0]  }
0x44: {  	v9 =	vld [tilespmem:s2+$0xFFFFFFE0];
	(xrf2) =	vadd.scan.msk.f32 $0xffff, v8  }
0x45: {  	v8 =	vld [tilespmem:s2+$0xFFFFFFF0]  }
0x46: {  	v3 =	vmul.f32 v3, v15;
	v10 =	vld.idx.msk [tilespmem:v11+s4+$0x0], $0xffff;
	v11, _, _ =	vpop (xrf2)  }
0x47: {  	v15 =	vld [tilespmem:s2+$0x0];
	v12 =	vperm.xlane v11, v0  }
0x48: {  	v1 =	vld [tilespmem:s2+$0x20];
	(xrf2) =	vadd.scan.msk.f32 $0xffff, v3;
	v4 =	vmul.f32 v4, v14;
	v17, _, _ =	vpop (xrf2)  }
0x49: {  	v5 =	vld.idx.msk [tilespmem:v5+s4+$0x0], $0xffff;
	v3 =	vperm.xlane v17, v0;
	v12 =	vadd.f32 v12, v2  }
0x4a: {  	v6 =	vld [tilespmem:s3+$0xFFFFFFF0];
	(xrf2) =	vadd.scan.msk.f32 $0xffff, v4;
	v19, _, _ =	vpop (xrf2)  }
0x4b: {  	v7 =	vld.idx.msk [tilespmem:v7+s4+$0x0], $0xffff;
	v10 =	vmul.f32 v10, v13;
	v21 =	vperm.xlane v19, v0;
	v22 =	vadd.f32 v3, v12  }
0x4c: {  	v9 =	vld.idx.msk [tilespmem:v9+s4+$0x0], $0xffff;
	v2 =	vadd.f32 v11, v2;
	v11, _, _ =	vpop (xrf2)  }
0x4d: {  	v24 =	vld.idx.msk [tilespmem:v8+s4+$0x0], $0xffff;
	(xrf2) =	vadd.scan.msk.f32 $0xffff, v10;
	v14 =	vperm.xlane v11, v0;
	v8 =	vadd.f32 v21, v22  }
0x4e: {  	s0 =	simm.s32 $0x18040;
	v4 =	vld [tilespmem:s3+$0x20];
	v18 =	vmul.f32 v5, v18;
	v12 =	vadd.f32 v17, v12;
	v13, _, _ =	vpop (xrf2)  }
0x4f: {  	v5 =	vld [tilespmem:s3+$0x10];
	[tilespmem:s0+$0xFFFFFFC0] =	vst v2;
	v62 =	vperm.xlane v13, v0;
	v61 =	vadd.f32 v19, v22;
	v14 =	vadd.f32 v14, v8  }
0x50: {  	v3 =	vld.idx.msk [tilespmem:v16+s4+$0x0], $0xffff;
	(xrf2) =	vadd.scan.msk.f32 $0xffff, v18;
	[tilespmem:s0+$0xFFFFFFD0] =	vst v12;
	v11 =	vadd.f32 v11, v8  }
0x51: {  	v63 =	vmul.f32 v7, v20;
	v2 =	vld [tilespmem:s3+$0x30];
	[tilespmem:s0+$0xFFFFFFE0] =	vst v61;
	v13 =	vadd.f32 v13, v14;
	v7 =	vadd.f32 v62, v14  }
0x52: {  	v10 =	vmul.f32 v9, v23;
	v12, _, _ =	vpop (xrf2);
	v8 =	vld.idx.msk [tilespmem:v15+s4+$0x0], $0xffff;
	[tilespmem:s0+$0xFFFFFFF0] =	vst v11  }
0x53: {  	s31 =	sshll.u32 s30, $0xE;
	s17 =	simm.s32 $0x8;
	s16 =	simm.s32 $0x18040;
	(xrf2) =	vadd.scan.msk.f32 $0xffff, v63;
	v9 =	vmul.f32 v24, v6;
	v11 =	vld [tilespmem:s3+$0x0];
	[tilespmem:s0+$0x0] =	vst v13;
	v6 =	vadd.f32 v12, v7  }
.LBB2_3:
0x54: {  	s17 =	sadd.s32 $0x8, s17;
	v13 =	vld [tilespmem:s2+$0x30];
	s2 =	sadd.s32 $0x80, s2;
	v12 =	vperm.xlane v12, v0;
	s0 =	sadd.s32 $0x80, s0;
	v14, _, _ =	vpop (xrf2)  }
0x55: {  	v15 =	vld [tilespmem:s2+$0x10];
	p0 =	slt.u32 s17, $0x1F8;
	[tilespmem:s16+$0x10] =	vst v6  }
0x56: {  	v6 =	vld.idx.msk [tilespmem:v1+s4+$0x0], $0xffff;
	(xrf2) =	vadd.scan.msk.f32 $0xffff, v10;
	v7 =	vadd.f32 v12, v7;
	v10 =	vperm.xlane v14, v0  }
0x57: {  	v12 =	vld [tilespmem:s2+$0xFFFFFFC0];
	v16, _, _ =	vpop (xrf2)  }
0x58: {  	v1 =	vld [tilespmem:s2+$0x20];
	v8 =	vmul.f32 v8, v11;
	v11 =	vadd.f32 v14, v7;
	v7 =	vadd.f32 v10, v7  }
0x59: {  	s3 =	sadd.s32 $0x80, s3;
	v10 =	vld [tilespmem:s2+$0xFFFFFFD0];
	(xrf2) =	vadd.scan.msk.f32 $0xffff, v9;
	v9 =	vperm.xlane v16, v0  }
0x5a: {  	v3 =	vmul.f32 v3, v5;
	v14 =	vld [tilespmem:s3+$0xFFFFFFF0];
	v5, _, _ =	vpop (xrf2);
	[tilespmem:s16+$0x20] =	vst v11;
	v11 =	vadd.f32 v16, v7  }
0x5b: {  	v16 =	vld [tilespmem:s2+$0xFFFFFFE0];
	v17 =	vperm.xlane v5, v0;
	v7 =	vadd.f32 v9, v7  }
0x5c: {  	v4 =	vmul.f32 v6, v4;
	v6 =	vld.idx.msk [tilespmem:v13+s4+$0x0], $0xffff;
	(xrf2) =	vadd.scan.msk.f32 $0xffff, v8;
	[tilespmem:s16+$0x30] =	vst v11;
	s16 =	smov.u32 s0  }
0x5d: {  	v8 =	vld [tilespmem:s2+$0xFFFFFFF0];
	v18 =	vadd.f32 v5, v7;
	v9, _, _ =	vpop (xrf2)  }
0x5e: {  	v11 =	vld [tilespmem:s2+$0x0];
	v13 =	vperm.xlane v9, v0  }
0x5f: {  	v12 =	vld.idx.msk [tilespmem:v12+s4+$0x0], $0xffff;
	[tilespmem:s0+$0xFFFFFFC0] =	vst v18;
	(xrf2) =	vadd.scan.msk.f32 $0xffff, v3  }
0x60: {  	v3 =	vld [tilespmem:s3+$0xFFFFFFC0];
	v5, _, _ =	vpop (xrf2)  }
0x61: {  	v7 =	vadd.f32 v17, v7;
	v10 =	vld.idx.msk [tilespmem:v10+s4+$0x0], $0xffff;
	v17 =	vperm.xlane v5, v0  }
0x62: {  	v2 =	vmul.f32 v6, v2;
	v18 =	vld [tilespmem:s3+$0xFFFFFFD0];
	(xrf2) =	vadd.scan.msk.f32 $0xffff, v4  }
0x63: {  	v20 =	vadd.f32 v13, v7;
	v4 =	vadd.f32 v9, v7;
	v6 =	vld.idx.msk [tilespmem:v16+s4+$0x0], $0xffff;
	v9, _, _ =	vpop (xrf2)  }
0x64: {  	v13 =	vld [tilespmem:s3+$0xFFFFFFE0];
	v16 =	vperm.xlane v9, v0  }
0x65: {  	v12 =	vmul.f32 v12, v3;
	v19 =	vld.idx.msk [tilespmem:v8+s4+$0x0], $0xffff;
	[tilespmem:s0+$0xFFFFFFD0] =	vst v4;
	v8 =	vadd.f32 v17, v20;
	(xrf2) =	vadd.scan.msk.f32 $0xffff, v2  }
0x66: {  	v5 =	vadd.f32 v5, v20;
	v3 =	vld.idx.msk [tilespmem:v15+s4+$0x0], $0xffff;
	v7, _, _ =	vpop (xrf2)  }
.Ltmp0:
0x67: {  	v15 =	vmul.f32 v10, v18;
	v2 =	vld [tilespmem:s3+$0x30];
	v16 =	vadd.f32 v16, v8;
	v17 =	vperm.xlane v7, v0;
	(pc) =	sbr.rel @p0 .LBB2_3-.Ltmp0, $4  }
0x68: {  	v9 =	vadd.f32 v9, v8;
	v4 =	vld [tilespmem:s3+$0x20];
	(xrf2) =	vadd.scan.msk.f32 $0xffff, v12;
	[tilespmem:s0+$0xFFFFFFE0] =	vst v5  }
0x69: {  	v10 =	vmul.f32 v6, v13;
	v5 =	vld [tilespmem:s3+$0x10];
	v6 =	vadd.f32 v7, v16;
	v7 =	vadd.f32 v17, v16;
	v12, _, _ =	vpop (xrf2)  }
0x6a: {  	v8 =	vld.idx.msk [tilespmem:v11+s4+$0x0], $0xffff;
	[tilespmem:s0+$0xFFFFFFF0] =	vst v9  }
0x6b: {  	v9 =	vmul.f32 v19, v14;
	v11 =	vld [tilespmem:s3+$0x0];
	(xrf2) =	vadd.scan.msk.f32 $0xffff, v15;
	[tilespmem:s0+$0x0] =	vst v6;
	v6 =	vadd.f32 v12, v7  }
0x6c: {  	v13 =	vld [tilespmem:s2+$0x30];
	_ =	sdelay $0x1  }
0x6d: {  	(xrf2) =	vadd.scan.msk.f32 $0xffff, v10;
	v10 =	vperm.xlane v12, v0;
	_ =	sdelay $0x1  }
0x6e: {  	v1 =	vld.idx.msk [tilespmem:v1+s4+$0x0], $0xffff  }
0x6f: {  	v12, _, _ =	vpop (xrf2);
	(xrf2) =	vadd.scan.msk.f32 $0xffff, v9;
	v8 =	vmul.f32 v8, v11  }
0x70: {  	v9 =	vperm.xlane v12, v0;
	v7 =	vadd.f32 v10, v7;
	v10, _, _ =	vpop (xrf2)  }
0x71: {  	v3 =	vmul.f32 v3, v5;
	(xrf2) =	vadd.scan.msk.f32 $0xffff, v8;
	v8 =	vperm.xlane v10, v0  }
0x72: {  	v5 =	vadd.f32 v9, v7;
	v9 =	vld.idx.msk [tilespmem:v13+s4+$0x0], $0xffff  }
0x73: {  	v1 =	vmul.f32 v1, v4;
	v11, _, _ =	vpop (xrf2);
	(xrf2) =	vadd.scan.msk.f32 $0xffff, v3  }
0x74: {  	v3 =	vperm.xlane v11, v0;
	v4 =	vadd.f32 v8, v5  }
0x75: {  	v8, _, _ =	vpop (xrf2);
	(xrf2) =	vadd.scan.msk.f32 $0xffff, v1  }
0x76: {  	v3 =	vadd.f32 v3, v4;
	v1 =	vperm.xlane v8, v0  }
0x77: {  	v13, _, _ =	vpop (xrf2);
	v2 =	vmul.f32 v9, v2  }
0x78: {  	v9 =	vperm.xlane v13, v0;
	v1 =	vadd.f32 v1, v3  }
0x79: {  	v7 =	vadd.f32 v12, v7;
	v14, _, _ =	vpop (xrf2);
	(xrf2) =	vadd.scan.msk.f32 $0xffff, v2  }
0x7a: {  	v2 =	vperm.xlane v14, v0;
	v9 =	vadd.f32 v9, v1  }
0x7b: {  	v4 =	vadd.f32 v11, v4;
	v12, _, _ =	vpop (xrf2)  }
0x7c: {  	[tilespmem:s16+$0x10] =	vst v6;
	v5 =	vadd.f32 v10, v5;
	v2 =	vadd.f32 v2, v9;
	v6 =	vperm.xlane v12, v0  }
0x7d: {  	[tilespmem:s16+$0x20] =	vst v7;
	v7, _, _ =	vpop (xrf2)  }
0x7e: {  	s0 =	sadd.s32 $0x80, s0;
	[tilespmem:s16+$0x30] =	vst v5;
	v3 =	vadd.f32 v8, v3;
	v5 =	vadd.f32 v6, v2;
	v6 =	vperm.xlane v7, v0  }
0x7f: {  	[tilespmem:s0+$0xFFFFFFC0] =	vst v4;
	v1 =	vadd.f32 v13, v1;
	v4, _, _ =	vpop (xrf2)  }
0x80: {  	[tilespmem:s0+$0xFFFFFFD0] =	vst v3;
	v3 =	vadd.f32 v14, v9;
	v6 =	vadd.f32 v6, v5;
	v8 =	vperm.xlane v4, v0  }
0x81: {  	[tilespmem:s0+$0xFFFFFFE0] =	vst v1;
	v1 =	vadd.f32 v12, v2  }
0x82: {  	[tilespmem:s0+$0xFFFFFFF0] =	vst v3;
	v2 =	vadd.f32 v7, v5;
	v3 =	vadd.f32 v8, v6  }
0x83: {  	p0 =	seq.s32 s30, $0x7;
	[tilespmem:s0+$0x0] =	vst v1;
	v1 =	vadd.f32 v4, v6;
	v5, _, _ =	vpop (xrf2)  }
0x84: {  	s2 =	sadd.s32 @!p0 s31, s12;
	[tilespmem:s0+$0x10] =	vst v2;
	v2 =	vadd.f32 v5, v3  }
0x85: {  	s2 =	sshrl.u32 @!p0 s2, $0x3;
	[tilespmem:s0+$0x20] =	vst v1  }
0x86: {  	s3 =	simm.s32 @!p0 $0x0;
	s16 =	simm.s32 @!p0 $0x10000;
	[tilespmem:s0+$0x30] =	vst v2;
	s0 =	sadd.s32 @!p0 s1, s2  }
0x87: {  	[tilespmem:s16], [sflag:$0x1] =	stream.linear.gather @!p0 [hbm4b:s0+s3], $0x2000, $0x38;
	[tilespmem:$0x1C080] =	vst v63  }
0x88: {  	s0 =	sadd.s32 @!p0 s5, s2;
	s2 =	simm.s32 @!p0 $0x12000  }
0x89: {  	[tilespmem:s2], [sflag:$0x1] =	stream.linear.gather @!p0 [hbm4b:s0+s3], $0x2000, $0x38;
	[tilespmem:$0x1C080] =	vst v63  }
0x8a: {  	s3 =	sor.u32 s7, s31  }
0x8b: {  	s0 =	sshrl.u32 s3, $0x3  }
0x8c: {  	s2 =	simm.s32 @!p1 $0x4;
	s16 =	sadd.s32 s6, s0  }
0x8d: {  	[hbm4b:s16+s4] =	stream.linear.scatter [tilespmem:s22], [sflag:$0x3], $0x2000, $0x38;
	[tilespmem:$0x1C080] =	vst v63  }
0x8e: {  	_ =	swait.ge @!p1 [sflag:s2], $0x2000  }
0x8f: {  	[sflag:s2] =	ssyncset.done @!p1 $0x0  }
0x90: {  	[sflag:s2] =	ssyncadd.s32 @!p1 $0xFFFFE000  }
0x91: {  	_ =	swait.ge [sflag:s23], $0x2000  }
0x92: {  	[sflag:s23] =	ssyncset.done $0x0  }
0x93: {  	[sflag:s23] =	ssyncadd.s32 $0xFFFFE000  }
0x94: {  	_ =	swait.ge [sflag:s23], $0x2000  }
0x95: {  	[sflag:s23] =	ssyncset.done $0x0  }
0x96: {  	s17 =	simm.s32 $0x16040;
	[sflag:s23] =	ssyncadd.s32 $0xFFFFE000  }
0x97: {  	v1 =	vld [tilespmem:s17+$0xFFFFFFC0]  }
0x98: {  	v2 =	vld [tilespmem:s17+$0x10]  }
0x99: {  	v4 =	vld [tilespmem:s17+$0xFFFFFFD0]  }
0x9a: {  	v6 =	vld [tilespmem:s17+$0x20]  }
0x9b: {  	s18 =	simm.s32 $0x14040;
	v7 =	vld [tilespmem:s17+$0xFFFFFFE0]  }
0x9c: {  	v8 =	vld [tilespmem:s18+$0xFFFFFFF0]  }
0x9d: {  	v9 =	vld [tilespmem:s17+$0xFFFFFFF0]  }
0x9e: {  	v10 =	vld [tilespmem:s17+$0x0]  }
0x9f: {  	v11 =	vld [tilespmem:s18+$0xFFFFFFC0]  }
0xa0: {  	v12 =	vld [tilespmem:s18+$0xFFFFFFD0]  }
0xa1: {  	v13 =	vld [tilespmem:s18+$0xFFFFFFE0]  }
0xa2: {  	v14 =	vld [tilespmem:s18+$0x30]  }
0xa3: {  	v15 =	vld [tilespmem:s18+$0x20]  }
0xa4: {  	v16 =	vld [tilespmem:s18+$0x10]  }
0xa5: {  	s3 =	simm.s32 $0x160C0;
	v1 =	vld.idx.msk [tilespmem:v1+s4+$0x0], $0xffff  }
0xa6: {  	v17 =	vld [tilespmem:s3+$0x10]  }
0xa7: {  	s16 =	simm.s32 $0x140C0;
	v4 =	vld.idx.msk [tilespmem:v4+s4+$0x0], $0xffff  }
0xa8: {  	v18 =	vld [tilespmem:s16+$0xFFFFFFC0]  }
0xa9: {  	v7 =	vld.idx.msk [tilespmem:v7+s4+$0x0], $0xffff  }
0xaa: {  	v20 =	vld [tilespmem:s16+$0xFFFFFFD0];
	v1 =	vmul.f32 v1, v11  }
0xab: {  	v9 =	vld.idx.msk [tilespmem:v9+s4+$0x0], $0xffff  }
0xac: {  	v10 =	vld.idx.msk [tilespmem:v10+s4+$0x0], $0xffff;
	v4 =	vmul.f32 v4, v12;
	(xrf2) =	vadd.scan.msk.f32 $0xffff, v1  }
0xad: {  	v11 =	vld [tilespmem:s18+$0x0]  }
0xae: {  	v12 =	vld [tilespmem:s17+$0x30];
	v1 =	vmul.f32 v7, v13;
	(xrf2) =	vadd.scan.msk.f32 $0xffff, v4  }
0xaf: {  	v2 =	vld.idx.msk [tilespmem:v2+s4+$0x0], $0xffff  }
0xb0: {  	v7 =	vmul.f32 v9, v8;
	v4 =	vld.idx.msk [tilespmem:v6+s4+$0x0], $0xffff;
	(xrf2) =	vadd.scan.msk.f32 $0xffff, v1  }
0xb1: {  	v6 =	vld [tilespmem:s3+$0xFFFFFFC0]  }
0xb2: {  	v8 =	vld [tilespmem:s3+$0xFFFFFFD0];
	v9 =	vmul.f32 v10, v11;
	(xrf2) =	vadd.scan.msk.f32 $0xffff, v7  }
0xb3: {  	v7 =	vld [tilespmem:s3+$0xFFFFFFE0]  }
0xb4: {  	v13 =	vld [tilespmem:s3+$0x0];
	(xrf2) =	vadd.scan.msk.f32 $0xffff, v9  }
0xb5: {  	v5 =	vperm.xlane v5, v0;
	v9 =	vld [tilespmem:s3+$0xFFFFFFF0]  }
0xb6: {  	v2 =	vmul.f32 v2, v16;
	v10 =	vld.idx.msk [tilespmem:v12+s4+$0x0], $0xffff;
	v12, _, _ =	vpop (xrf2)  }
0xb7: {  	v3 =	vadd.f32 v5, v3;
	v1 =	vld [tilespmem:s3+$0x20];
	v5 =	vperm.xlane v12, v0  }
0xb8: {  	v11 =	vld [tilespmem:s16+$0xFFFFFFF0];
	v4 =	vmul.f32 v4, v15;
	v59, _, _ =	vpop (xrf2);
	(xrf2) =	vadd.scan.msk.f32 $0xffff, v2  }
0xb9: {  	v6 =	vld.idx.msk [tilespmem:v6+s4+$0x0], $0xffff;
	v2 =	vperm.xlane v59, v0;
	v5 =	vadd.f32 v5, v3  }
0xba: {  	v8 =	vld.idx.msk [tilespmem:v8+s4+$0x0], $0xffff;
	v19, _, _ =	vpop (xrf2);
	(xrf2) =	vadd.scan.msk.f32 $0xffff, v4  }
0xbb: {  	v22 =	vld.idx.msk [tilespmem:v7+s4+$0x0], $0xffff;
	v10 =	vmul.f32 v10, v14;
	v21 =	vperm.xlane v19, v0;
	v2 =	vadd.f32 v2, v5  }
0xbc: {  	v3 =	vadd.f32 v12, v3;
	v7, _, _ =	vpop (xrf2);
	v12 =	vld [tilespmem:s16+$0xFFFFFFE0]  }
0xbd: {  	s2 =	simm.s32 $0x1A040;
	v23 =	vld.idx.msk [tilespmem:v9+s4+$0x0], $0xffff;
	(xrf2) =	vadd.scan.msk.f32 $0xffff, v10;
	v15 =	vperm.xlane v7, v0;
	v9 =	vadd.f32 v21, v2  }
0xbe: {  	v4 =	vld [tilespmem:s16+$0x20];
	v6 =	vmul.f32 v6, v18;
	[tilespmem:s2+$0xFFFFFFC0] =	vst v3;
	v5 =	vadd.f32 v59, v5;
	v14, _, _ =	vpop (xrf2)  }
0xbf: {  	v3 =	vld.idx.msk [tilespmem:v17+s4+$0x0], $0xffff;
	v61 =	vperm.xlane v14, v0;
	v60 =	vadd.f32 v19, v2;
	v15 =	vadd.f32 v15, v9  }
0xc0: {  	(xrf2) =	vadd.scan.msk.f32 $0xffff, v6;
	v2 =	vld [tilespmem:s16+$0x30];
	[tilespmem:s2+$0xFFFFFFD0] =	vst v5;
	v62 =	vadd.f32 v7, v9  }
0xc1: {  	v63 =	vmul.f32 v8, v20;
	v5 =	vld [tilespmem:s16+$0x10];
	[tilespmem:s2+$0xFFFFFFE0] =	vst v60;
	v14 =	vadd.f32 v14, v15;
	v7 =	vadd.f32 v61, v15  }
0xc2: {  	v10 =	vmul.f32 v22, v12;
	v8 =	vmul.f32 v23, v11;
	v11 =	vld [tilespmem:s16+$0x0];
	v12, _, _ =	vpop (xrf2);
	[tilespmem:s2+$0xFFFFFFF0] =	vst v62  }
0xc3: {  	s18 =	simm.s32 $0x8;
	s17 =	simm.s32 $0x1A040;
	(xrf2) =	vadd.scan.msk.f32 $0xffff, v63;
	v9 =	vld.idx.msk [tilespmem:v13+s4+$0x0], $0xffff;
	[tilespmem:s2+$0x0] =	vst v14;
	v6 =	vadd.f32 v12, v7  }
.LBB2_5:
0xc4: {  	s18 =	sadd.s32 $0x8, s18;
	v13 =	vld [tilespmem:s3+$0x30];
	s3 =	sadd.s32 $0x80, s3;
	v12 =	vperm.xlane v12, v0;
	s2 =	sadd.s32 $0x80, s2;
	v14, _, _ =	vpop (xrf2)  }
0xc5: {  	v15 =	vld [tilespmem:s3+$0x10];
	p1 =	slt.u32 s18, $0x1F8;
	[tilespmem:s17+$0x10] =	vst v6  }
0xc6: {  	v6 =	vld.idx.msk [tilespmem:v1+s4+$0x0], $0xffff;
	(xrf2) =	vadd.scan.msk.f32 $0xffff, v10;
	v7 =	vadd.f32 v12, v7;
	v10 =	vperm.xlane v14, v0  }
0xc7: {  	v12 =	vld [tilespmem:s3+$0xFFFFFFC0];
	v16, _, _ =	vpop (xrf2)  }
0xc8: {  	v1 =	vld [tilespmem:s3+$0x20];
	v9 =	vmul.f32 v9, v11;
	v11 =	vadd.f32 v14, v7;
	v7 =	vadd.f32 v10, v7  }
0xc9: {  	s16 =	sadd.s32 $0x80, s16;
	v10 =	vld [tilespmem:s3+$0xFFFFFFD0];
	(xrf2) =	vadd.scan.msk.f32 $0xffff, v8;
	v8 =	vperm.xlane v16, v0  }
0xca: {  	v3 =	vmul.f32 v3, v5;
	v14 =	vld [tilespmem:s16+$0xFFFFFFF0];
	v5, _, _ =	vpop (xrf2);
	[tilespmem:s17+$0x20] =	vst v11;
	v11 =	vadd.f32 v16, v7  }
0xcb: {  	v16 =	vld [tilespmem:s3+$0xFFFFFFE0];
	v17 =	vperm.xlane v5, v0;
	v7 =	vadd.f32 v8, v7  }
0xcc: {  	v4 =	vmul.f32 v6, v4;
	v6 =	vld.idx.msk [tilespmem:v13+s4+$0x0], $0xffff;
	(xrf2) =	vadd.scan.msk.f32 $0xffff, v9;
	[tilespmem:s17+$0x30] =	vst v11;
	s17 =	smov.u32 s2  }
0xcd: {  	v8 =	vld [tilespmem:s3+$0xFFFFFFF0];
	v18 =	vadd.f32 v5, v7;
	v9, _, _ =	vpop (xrf2)  }
0xce: {  	v11 =	vld [tilespmem:s3+$0x0];
	v13 =	vperm.xlane v9, v0  }
0xcf: {  	v12 =	vld.idx.msk [tilespmem:v12+s4+$0x0], $0xffff;
	[tilespmem:s2+$0xFFFFFFC0] =	vst v18;
	(xrf2) =	vadd.scan.msk.f32 $0xffff, v3  }
0xd0: {  	v3 =	vld [tilespmem:s16+$0xFFFFFFC0];
	v5, _, _ =	vpop (xrf2)  }
0xd1: {  	v7 =	vadd.f32 v17, v7;
	v10 =	vld.idx.msk [tilespmem:v10+s4+$0x0], $0xffff;
	v17 =	vperm.xlane v5, v0  }
0xd2: {  	v2 =	vmul.f32 v6, v2;
	v18 =	vld [tilespmem:s16+$0xFFFFFFD0];
	(xrf2) =	vadd.scan.msk.f32 $0xffff, v4  }
0xd3: {  	v19 =	vadd.f32 v13, v7;
	v4 =	vadd.f32 v9, v7;
	v6 =	vld.idx.msk [tilespmem:v16+s4+$0x0], $0xffff;
	v9, _, _ =	vpop (xrf2)  }
0xd4: {  	v13 =	vld [tilespmem:s16+$0xFFFFFFE0];
	v16 =	vperm.xlane v9, v0  }
0xd5: {  	v17 =	vadd.f32 v17, v19;
	v12 =	vmul.f32 v12, v3;
	v8 =	vld.idx.msk [tilespmem:v8+s4+$0x0], $0xffff;
	[tilespmem:s2+$0xFFFFFFD0] =	vst v4;
	(xrf2) =	vadd.scan.msk.f32 $0xffff, v2  }
0xd6: {  	v5 =	vadd.f32 v5, v19;
	v3 =	vld.idx.msk [tilespmem:v15+s4+$0x0], $0xffff;
	v7, _, _ =	vpop (xrf2)  }
.Ltmp1:
0xd7: {  	v16 =	vadd.f32 v16, v17;
	v15 =	vmul.f32 v10, v18;
	v2 =	vld [tilespmem:s16+$0x30];
	v18 =	vperm.xlane v7, v0;
	(pc) =	sbr.rel @p1 .LBB2_5-.Ltmp1, $4  }
0xd8: {  	v17 =	vadd.f32 v9, v17;
	v4 =	vld [tilespmem:s16+$0x20];
	(xrf2) =	vadd.scan.msk.f32 $0xffff, v12;
	[tilespmem:s2+$0xFFFFFFE0] =	vst v5  }
0xd9: {  	v10 =	vmul.f32 v6, v13;
	v5 =	vld [tilespmem:s16+$0x10];
	v6 =	vadd.f32 v7, v16;
	v7 =	vadd.f32 v18, v16;
	v12, _, _ =	vpop (xrf2)  }
0xda: {  	v9 =	vld.idx.msk [tilespmem:v11+s4+$0x0], $0xffff;
	[tilespmem:s2+$0xFFFFFFF0] =	vst v17  }
0xdb: {  	v8 =	vmul.f32 v8, v14;
	v11 =	vld [tilespmem:s16+$0x0];
	(xrf2) =	vadd.scan.msk.f32 $0xffff, v15;
	[tilespmem:s2+$0x0] =	vst v6;
	v6 =	vadd.f32 v12, v7  }
0xdc: {  	v13 =	vld [tilespmem:s3+$0x30];
	_ =	sdelay $0x2  }
0xdd: {  	(xrf2) =	vadd.scan.msk.f32 $0xffff, v10  }
0xde: {  	v45 =	vperm.xlane v12, v0;
	v1 =	vld.idx.msk [tilespmem:v1+s4+$0x0], $0xffff  }
0xdf: {  	v46, _, _ =	vpop (xrf2);
	(xrf2) =	vadd.scan.msk.f32 $0xffff, v8;
	v9 =	vmul.f32 v9, v11  }
0xe0: {  	v47 =	vperm.xlane v46, v0;
	v7 =	vadd.f32 v45, v7  }
0xe1: {  	v3 =	vmul.f32 v3, v5;
	v48, _, _ =	vpop (xrf2);
	(xrf2) =	vadd.scan.msk.f32 $0xffff, v9  }
0xe2: {  	v49 =	vadd.f32 v47, v7;
	v50 =	vperm.xlane v48, v0;
	v51 =	vld.idx.msk [tilespmem:v13+s4+$0x0], $0xffff  }
0xe3: {  	v1 =	vmul.f32 v1, v4;
	v52, _, _ =	vpop (xrf2);
	(xrf2) =	vadd.scan.msk.f32 $0xffff, v3  }
0xe4: {  	v53 =	vadd.f32 v50, v49;
	v3 =	vperm.xlane v52, v0  }
0xe5: {  	v54, _, _ =	vpop (xrf2);
	(xrf2) =	vadd.scan.msk.f32 $0xffff, v1  }
0xe6: {  	v3 =	vadd.f32 v3, v53;
	v1 =	vperm.xlane v54, v0  }
0xe7: {  	v55, _, _ =	vpop (xrf2);
	v2 =	vmul.f32 v51, v2  }
0xe8: {  	v56 =	vperm.xlane v55, v0;
	v1 =	vadd.f32 v1, v3  }
0xe9: {  	v14, _, _ =	vpop (xrf2);
	(xrf2) =	vadd.scan.msk.f32 $0xffff, v2  }
0xea: {  	v9 =	vadd.f32 v56, v1;
	v2 =	vperm.xlane v14, v0  }
0xeb: {  	v7 =	vadd.f32 v46, v7;
	v57, _, _ =	vpop (xrf2)  }
0xec: {  	[tilespmem:s17+$0x10] =	vst v6;
	v5 =	vadd.f32 v48, v49;
	v2 =	vadd.f32 v2, v9;
	v58 =	vperm.xlane v57, v0  }
0xed: {  	[tilespmem:s17+$0x20] =	vst v7;
	v1 =	vadd.f32 v55, v1;
	v59, _, _ =	vpop (xrf2)  }
0xee: {  	s2 =	sadd.s32 $0x80, s2;
	[tilespmem:s17+$0x30] =	vst v5;
	v3 =	vadd.f32 v54, v3;
	v61 =	vperm.xlane v59, v0;
	v60 =	vadd.f32 v58, v2  }
0xef: {  	v4 =	vadd.f32 v52, v53;
	[tilespmem:s2+$0xFFFFFFE0] =	vst v1;
	v62, _, _ =	vpop (xrf2);
	v1 =	vadd.f32 v57, v2  }
0xf0: {  	[tilespmem:s2+$0xFFFFFFD0] =	vst v3;
	v3 =	vadd.f32 v14, v9;
	v63 =	vperm.xlane v62, v0;
	v6 =	vadd.f32 v61, v60  }
0xf1: {  	[tilespmem:s2+$0xFFFFFFC0] =	vst v4  }
0xf2: {  	[tilespmem:s2+$0xFFFFFFF0] =	vst v3;
	v2 =	vadd.f32 v59, v60;
	v3 =	vadd.f32 v63, v6  }
0xf3: {  	[tilespmem:s2+$0x0] =	vst v1;
	v4 =	vadd.f32 v62, v6;
	v1, _, _ =	vpop (xrf2)  }
0xf4: {  	s3 =	sadd.s32 @!p0 s31, s13;
	[tilespmem:s2+$0x10] =	vst v2;
	v2 =	vadd.f32 v1, v3  }
0xf5: {  	s3 =	sshrl.u32 @!p0 s3, $0x3;
	[tilespmem:s2+$0x20] =	vst v4  }
0xf6: {  	s16 =	simm.s32 @!p0 $0x0;
	s17 =	simm.s32 @!p0 $0x14000;
	[tilespmem:s2+$0x30] =	vst v2;
	s2 =	sadd.s32 @!p0 s1, s3  }
0xf7: {  	[tilespmem:s17], [sflag:$0x2] =	stream.linear.gather @!p0 [hbm4b:s2+s16], $0x2000, $0x38;
	[tilespmem:$0x1C080] =	vst v63  }
0xf8: {  	s30 =	sadd.s32 $0x1, s30;
	s2 =	sadd.s32 @!p0 s5, s3;
	s3 =	simm.s32 @!p0 $0x16000  }
0xf9: {  	[tilespmem:s3], [sflag:$0x2] =	stream.linear.gather @!p0 [hbm4b:s2+s16], $0x2000, $0x38;
	[tilespmem:$0x1C080] =	vst v63  }
0xfa: {  	p0 =	sne.s32 s30, $0x8  }
.Ltmp2:
0xfb: {  	_ = 	snop;
	(pc) =	sbr.rel @p0 .LBB2_2-.Ltmp2, $4  }
0xfc: {  	_ = 	snop  }
0xfd: {  	s0 =	sadd.s32 s0, s6;
	v1 =	vperm.xlane v1, v0  }
0xfe: {  	s0 =	sadd.s32 $0x400, s0  }
0xff: {  	v2 =	vadd.f32 v1, v3;
	[hbm4b:s0+s4] =	stream.linear.scatter [tilespmem:s24], [sflag:$0x4], $0x2000, $0x38;
	[tilespmem:$0x1C080] =	vst v63  }
0x100: {  	_ =	swait.ge [sflag:s25], $0x2000  }
0x101: {  	[sflag:s25] =	ssyncset.done $0x0  }
0x102: {  	[sflag:s25] =	ssyncadd.s32 $0xFFFFE000  }
0x103: {  	_ =	swait.ge [sflag:s26], $0x2000  }
0x104: {  	s29 =	sadd.s32 $0x1, s29;
	[sflag:s26] =	ssyncset.done $0x0  }
0x105: {  	p0 =	sne.s32 s29, s15;
	[sflag:s26] =	ssyncadd.s32 $0xFFFFE000  }
.Ltmp3:
0x106: {  	[tilespmem:$0x1C000] =	vst v2;
	(pc) =	sbr.rel @p0 .LBB2_1-.Ltmp3, $4  }
0x107: {  	[hbm4b:s14+s4] =	stream.linear.scatter [tilespmem:s28], [sflag:$0x5], $0x10, $0x38;
	[tilespmem:$0x1C080] =	vst v63  }
0x108: {  	_ =	swait.ge [sflag:s20], $0x10  }
0x109: {  	[sflag:s20] =	ssyncset.done $0x0  }
0x10a: {  	[sflag:s20] =	ssyncadd.s32 $0xFFFFFFF0  }
0x10b: {  	_ =	sfence.sel $0x180000  }
0x10c: {  	[bflag:$0x0] =	sbarrier.arrive $0xFFFF  }
0x10d: {  	_ =	strace $0x90000047  }
0x10e: {  	s0 =	stileid.u32;
	[bflag:$0x2] =	sbarrier.arrive $0xFFFF  }
0x10f: {  	p0 =	sne.s32 s0, $0x0;
	s0 =	rddreg [dreg:$0x3]  }
0x110: {  	s0 =	sadd.s32 @!p0 $0x100000, s0  }
0x111: {  	[sflag:s0] =	ssyncadd.tile.s32 @!p0 $0x1;
	_ =	shalt  }
.Lfunc_end2:
_tile_overlayer_lowered:
.L_overlay_start_2:
0x112: {  	(tag) =	ssettag $0x2  }
0x113: {  	s0 =	rddreg [dreg:$0x0];
	s2 =	stileid.u32  }
0x114: {  	s1 =	rddreg [dreg:$0x1];
	p0 =	sne.s32 s2, $0x0  }
0x115: {  	s3 =	rddreg [dreg:$0x2];
	[bflag:$0x3] =	sbarrier.arrive $0xFFFF;
	s2 =	simm.s32 @!p0 $0x1C05  }
0x116: {  	[timem:s3], [sflag:s2] =	dma.local @!p0 [hbm:s0], s1  }
0x117: {  	s0 =	simm.s32 @!p0 $0x5  }
0x118: {  	_ =	swait.ge @!p0 [sflag:s0], s1  }
0x119: {  	s1 =	ssub.s32 @!p0 $0x0, s1;
	[sflag:s0] =	ssyncset.done @!p0 $0x0  }
0x11a: {  	[sflag:s0] =	ssyncadd.s32 @!p0 s1  }
0x11b: {  	[bflag:$0x3] =	sbarrier.arrive $0xFFFF  }
0x11c: {  	_ =	shalt  }

// kernel: kernel.7.cloned.1.call-start
scs
__scs_entry_jumppad:
0x0: {  	(pc) =	sbr.rel $0x88, $3  }
0x1: {  	(tag) =	ssettag $0x0;
	lr =	simm.s32 $0x1  }
0x2: {  	[smem:$0x3F9D] =	sst lr;
	_ =	strace $0xD0000000  }
0x3: {  	_ = 	snop  }
0x4: {  	_ = 	snop  }
0x5: {  	_ = 	snop  }
0x6: {  	_ = 	snop  }
0x7: {  	_ = 	snop  }
__scs_overlays_trampoline_lowered:
0x8: {  	[smem:$0x3FAC] =	sst s0  }
0x9: {  	[smem:$0x3FAD] =	sst s1  }
0xa: {  	[smem:$0x3FAE] =	sst s2  }
0xb: {  	[smem:$0x3FAF] =	sst s3  }
0xc: {  	[smem:$0x3FB0] =	sst s4  }
0xd: {  	[smem:$0x3FB1] =	sst s5  }
0xe: {  	[smem:$0x3FB2] =	sst s6  }
0xf: {  	[smem:$0x3FB3] =	sst s7  }
0x10: {  	[smem:$0x3FB4] =	sst s8  }
0x11: {  	[smem:$0x3FB5] =	sst s9;
	s0 =	simm.s32 @!p0 $0x0  }
0x12: {  	s1 =	sld [smem:$0x3F9B];
	s0 =	simm.s32 @p0 $0x1  }
0x13: {  	[smem:$0x3FB6] =	sst s0;
	s0 =	simm.s32 @!p1 $0x0  }
0x14: {  	s2 =	sld [smem:$0x3F9A];
	s0 =	simm.s32 @p1 $0x1  }
0x15: {  	[smem:$0x3FB7] =	sst s0;
	s0 =	simm.s32 @!p2 $0x0  }
0x16: {  	s3 =	sld [smem:$0x3FDB];
	s0 =	simm.s32 @p2 $0x1  }
0x17: {  	s4 =	simm.s32 $0x1BF5;
	[smem:$0x3FB9] =	sst s0  }
0x18: {  	s0 =	sld [smem:$0x3F9C];
	_ =	swait.ge [sflag:s4], $0x0  }
0x19: {  	s7 =	sld [smem:$0x3F9D]  }
0x1a: {  	s8 =	sadd.s32 $0xFFFFE003, lr  }
0x1b: {  	s9 =	sadd.s32 $0xFFFFFEF7, lr;
	s5 =	simm.s32 $0xFFFFFFFF;
	p2 =	slt.u32 s8, $0xFFFFF086  }
0x1c: {  	p1 =	slt.u32 s9, $0xF7A;
	s5 =	simm.s32 @!p2 $0x0  }
0x1d: {  	s5 =	simm.s32 @p1 $0x1;
	p0 =	seq.s32 s7, s2  }
0x1e: {  	s7 =	smul.u32 @!p0 $0xF7A, s2;
	p2 =	seq.s32 @!p0 s5, $0x0  }
0x1f: {  	s9 =	smul.u32 $0xF7A, s1;
	s8 =	simm.s32 @!p0 $0x1BF5;
	p2 =	por !p2, p0  }
0x20: {  	[sflag:s8] =	ssyncset.s32 @!p0 $0xFFFFF086;
	s6 =	sadd.s32 @!p0 s3, s7;
	s7 =	simm.s32 @!p0 $0x108  }
0x21: {  	s3 =	sadd.s32 s3, s9;
	s6 =	sadd.s32 @!p0 $0x88, s6;
	s7 =	simm.s32 @p2 $0x1082  }
0x22: {  	[simem:s7], [sflag:s8] =	dma.local @!p0 [hbm:s6], $0xF7A  }
0x23: {  	s9 =	sor.u32 $0xD0000000, s2;
	s6 =	simm.s32 $0x108;
	_ =	swait.ge @!p0 [sflag:s8], $0x0  }
0x24: {  	s3 =	sadd.s32 $0x88, s3;
	s6 =	simm.s32 @!p1 $0x1082;
	[sflag:s4] =	ssyncset.s32 $0xFFFFF086  }
0x25: {  	[simem:s6], [sflag:s4] =	dma.local [hbm:s3], $0xF7A  }
0x26: {  	[smem:$0x3F9D] =	sst s1;
	(tag) =	ssettag s2;
	_ =	strace s9  }
0x27: {  	s1 =	sld [smem:$0x3FAD]  }
0x28: {  	s2 =	sld [smem:$0x3FAE]  }
0x29: {  	s4 =	sld [smem:$0x3FB0]  }
0x2a: {  	p0 =	seq.s32 s5, $0x0;
	s5 =	sld [smem:$0x3FB1]  }
0x2b: {  	s6 =	sld [smem:$0x3FB2]  }
0x2c: {  	s7 =	sld [smem:$0x3FB3]  }
0x2d: {  	s3 =	simm.s32 $0x108;
	s8 =	sld [smem:$0x3FB4]  }
0x2e: {  	s3 =	simm.s32 @!p0 $0x1082;
	s9 =	sld [smem:$0x3FB5]  }
0x2f: {  	lr =	sadd.s32 s0, s3;
	s0 =	sld [smem:$0x3FAC]  }
0x30: {  	s3 =	sld [smem:$0x3FAF]  }
0x31: {  	[smem:$0x3FB8] =	sst s10  }
0x32: {  	s10 =	sld [smem:$0x3FB6];
	_ =	sdelay $0x3  }
0x33: {  	p0 =	seq.s32 s10, $0x1;
	s10 =	sld [smem:$0x3FB8];
	_ =	sdelay $0x3  }
0x34: {  	[smem:$0x3FB8] =	sst s10  }
0x35: {  	s10 =	sld [smem:$0x3FB7];
	_ =	sdelay $0x3  }
0x36: {  	p1 =	seq.s32 s10, $0x1;
	s10 =	sld [smem:$0x3FB8];
	_ =	sdelay $0x3  }
0x37: {  	[smem:$0x3FB8] =	sst s10  }
0x38: {  	s10 =	sld [smem:$0x3FB9]  }
0x39: {  	_ = 	snop;
	(pc) =	sbr.ind lr, $3  }
0x3a: {  	_ = 	snop  }
0x3b: {  	_ = 	snop  }
0x3c: {  	p2 =	seq.s32 s10, $0x1;
	s10 =	sld [smem:$0x3FB8]  }
0x3d: {  	_ =	shalt  }
0x3e: {  	_ =	shalt  }
0x3f: {  	_ =	shalt  }
0x40: {  	_ =	shalt  }
0x41: {  	_ =	shalt  }
0x42: {  	_ =	shalt  }
0x43: {  	_ =	shalt  }
0x44: {  	_ =	shalt  }
0x45: {  	_ =	shalt  }
0x46: {  	_ =	shalt  }
0x47: {  	_ =	shalt  }
0x48: {  	_ =	shalt  }
0x49: {  	_ =	shalt  }
0x4a: {  	_ =	shalt  }
0x4b: {  	_ =	shalt  }
0x4c: {  	_ =	shalt  }
0x4d: {  	_ =	shalt  }
0x4e: {  	_ =	shalt  }
0x4f: {  	_ =	shalt  }
0x50: {  	_ =	shalt  }
0x51: {  	_ =	shalt  }
0x52: {  	_ =	shalt  }
0x53: {  	_ =	shalt  }
0x54: {  	_ =	shalt  }
0x55: {  	_ =	shalt  }
0x56: {  	_ =	shalt  }
0x57: {  	_ =	shalt  }
0x58: {  	_ =	shalt  }
0x59: {  	_ =	shalt  }
0x5a: {  	_ =	shalt  }
0x5b: {  	_ =	shalt  }
0x5c: {  	_ =	shalt  }
0x5d: {  	_ =	shalt  }
0x5e: {  	_ =	shalt  }
0x5f: {  	_ =	shalt  }
0x60: {  	_ =	shalt  }
0x61: {  	_ =	shalt  }
0x62: {  	_ =	shalt  }
0x63: {  	_ =	shalt  }
0x64: {  	_ =	shalt  }
0x65: {  	_ =	shalt  }
0x66: {  	_ =	shalt  }
0x67: {  	_ =	shalt  }
0x68: {  	_ =	shalt  }
0x69: {  	_ =	shalt  }
0x6a: {  	_ =	shalt  }
0x6b: {  	_ =	shalt  }
0x6c: {  	_ =	shalt  }
0x6d: {  	_ =	shalt  }
0x6e: {  	_ =	shalt  }
0x6f: {  	_ =	shalt  }
0x70: {  	_ =	shalt  }
0x71: {  	_ =	shalt  }
0x72: {  	_ =	shalt  }
0x73: {  	_ =	shalt  }
0x74: {  	_ =	shalt  }
0x75: {  	_ =	shalt  }
0x76: {  	_ =	shalt  }
0x77: {  	_ =	shalt  }
0x78: {  	_ =	shalt  }
0x79: {  	_ =	shalt  }
0x7a: {  	_ =	shalt  }
0x7b: {  	_ =	shalt  }
0x7c: {  	_ =	shalt  }
0x7d: {  	_ =	shalt  }
0x7e: {  	_ =	shalt  }
0x7f: {  	_ =	shalt  }
0x80: {  	_ =	shalt  }
0x81: {  	_ =	shalt  }
0x82: {  	_ =	shalt  }
0x83: {  	_ =	shalt  }
0x84: {  	_ =	shalt  }
0x85: {  	_ =	shalt  }
0x86: {  	_ =	shalt  }
0x87: {  	_ =	shalt  }
.Lfunc_end0:
.L_simem_size_0:
called_computation.1_lowered:
.L_overlay_start_0:
0x88: {  	s2 =	sld [smem:$0x3FD9]  }
0x89: {  	s3 =	sld [smem:$0x3FFE];
	_ =	sdelay $0x1  }
0x8a: {  	s1 =	srdreg.scid  }
0x8b: {  	s0 =	sand.u32 $0x1, s1  }
0x8c: {  	s17 =	sshll.u32 s0, $0xA;
	s2 =	sadd.s32 s3, s2  }
0x8d: {  	s2 =	sadd.s32 s2, s17  }
0x8e: {  	[smem:$0x3FC4] =	sst s2  }
0x8f: {  	_ = 	snop  }
0x90: {  	s2 =	sld [smem:$0x3FD0];
	(tm) =	ssettm $0x1  }
0x91: {  	s18 =	sld [smem:$0x3FFB];
	_ =	sdelay $0x3  }
0x92: {  	_ =	strace s18  }
0x93: {  	s3 =	sld [smem:$0x3FFC];
	_ =	sdelay $0x3  }
0x94: {  	_ =	strace s3  }
0x95: {  	s3 =	sld [smem:$0x3FFD];
	_ =	sdelay $0x3  }
0x96: {  	_ =	strace s3  }
0x97: {  	_ =	strace $0x8FFFFFFF  }
0x98: {  	s19 =	sld [smem:$0x3FDB];
	_ =	sdelay $0x1  }
0x99: {  	s4 =	simm.s32 $_scs_section_size  }
0x9a: {  	s5 =	simm.s32 $_size__tile_overlayer_lowered;
	s6 =	simm.s32 $_tile_overlayer_lowered  }
0x9b: {  	s22 =	simm.s32 $0x1BFF;
	s21 =	sshll.u32 s6, $0x1;
	s3 =	sadd.s32 s4, s19  }
0x9c: {  	s7 =	simm.s32 $0x0;
	s20 =	sshll.u32 s5, $0x1;
	s5 =	sadd.s32 s21, s3  }
0x9d: {  	[timem:s7], [sflag:s22] =	dma.local [hbm:s5], s20  }
0x9e: {  	_ =	swait.ge [sflag:s22], s20  }
0x9f: {  	s4 =	ssub.s32 $0x0, s20;
	[sflag:s22] =	ssyncset.done $0x0  }
0xa0: {  	[sflag:s22] =	ssyncadd.s32 s4;
	_ =	sdelay $0x1  }
0xa1: {  	s23 =	simm.s32 $0x1B8B  }
0xa2: {  	_ =	swait.ge [sflag:s23], $0x1  }
0xa3: {  	[sflag:s23] =	ssyncset.done $0x0  }
0xa4: {  	s25 =	simm.s32 $0x1B8E;
	s24 =	sld [smem:$0x3FFE];
	[sflag:s23] =	ssyncadd.s32 $0xFFFFFFFF  }
0xa5: {  	s26 =	simm.s32 $execute0_lowered;
	[smem:$0x3FD2] =	sst s25  }
0xa6: {  	s5 =	sshll.u32 s26, $0x1;
	_ =	strace $0x80000049;
	[dreg:$0x1] =	wrdreg $0xFFFFFFFF  }
0xa7: {  	s28 =	simm.s32 $_size_execute0_lowered;
	s3 =	sadd.s32 s3, s5;
	[dreg:$0x0] =	wrdreg $0x0  }
0xa8: {  	s5 =	sshll.u32 s28, $0x1;
	[dreg:$0x2] =	wrdreg s3  }
0xa9: {  	[dreg:$0x3] =	wrdreg s5  }
0xaa: {  	[dreg:$0x4] =	wrdreg $0xC0  }
0xab: {  	_ =	task [dreg:s7], $0x5FFFF  }
0xac: {  	[dreg:$0x1] =	wrdreg $0xFFFFFFFF  }
0xad: {  	[dreg:$0x0] =	wrdreg $0x60  }
0xae: {  	[dreg:$0x2] =	wrdreg s24  }
0xaf: {  	[dreg:$0x3] =	wrdreg s2  }
0xb0: {  	[dreg:$0x4] =	wrdreg $0x9  }
0xb1: {  	_ =	task.clear_ibuf [dreg:s7], $0x5FFFF;
	_ =	strace $0x90000049  }
0xb2: {  	s29 =	simm.s32 $0x9;
	_ =	strace $0x8000004B  }
0xb3: {  	_ =	swait.ge [sflag:s29], $0x1  }
0xb4: {  	[sflag:s29] =	ssyncadd.s32 $0xFFFFFFFF  }
0xb5: {  	_ =	strace $0x9000004B  }
0xb6: {  	_ =	sfence  }
0xb7: {  	s30 =	sld [smem:$0x0];
	_ =	sdelay $0x2  }
0xb8: {  	s31 =	sshll.u32 s1, $0xD;
	s1 =	sshrl.u32 s1, $0x2  }
0xb9: {  	s3 =	sand.u32 $0x4000, s31;
	s1 =	sadd.s32 s1, s30  }
0xba: {  	s0 =	sor.u32 s3, s0;
	s1 =	sshll.u32 s1, $0x11  }
0xbb: {  	s0 =	sor.u32 s1, s0  }
0xbc: {  	s0 =	sadd.s32 $0x8F2B, s0  }
0xbd: {  	[sflag:s0] =	ssyncadd.remote.s32 $0x1  }
0xbe: {  	_ =	sfence.sel $0xFFFF  }
0xbf: {  	[dreg:$0x0] =	wrdreg $0xFFFFFFFF;
	(pc) =	sbr.abs _section_cstart, $3  }
0xc0: {  	[dreg:$0x1] =	wrdreg $0xFFFFFFFF  }
0xc1: {  	_ =	task.clear_ibuf [dreg:s7], $0x2FFFF;
	_ =	strace $0x9FFFFFFF  }
0xc2: {  	(tm) =	ssettm $0x7FFFFFFF  }
0xc3: {  	_ =	shalt  }
tec
execute0_lowered:
.L_overlay_start_1:
0x0: {  	(tag) =	ssettag $0x1  }
0x1: {  	s0 =	rddreg [dreg:$0x0]  }
0x2: {  	s1 =	rddreg [dreg:$0x1]  }
0x3: {  	s2 =	srdreg.scid;
	s4 =	stileid.u32;
	s8 =	simm.s32 $0x2  }
0x4: {  	s9 =	simm.s32 $0x1980;
	s10 =	simm.s32 $0x80;
	s11 =	simm.s32 $0xE00  }
0x5: {  	s12 =	simm.s32 $0x1680;
	s13 =	simm.s32 $0xE80;
	s14 =	simm.s32 $0x1700  }
0x6: {  	s15 =	simm.s32 $0xF00;
	s16 =	simm.s32 $0x1780;
	s17 =	simm.s32 $0xF80  }
0x7: {  	s18 =	simm.s32 $0x1800;
	s19 =	simm.s32 $0x1000;
	s20 =	simm.s32 $0x1880  }
0x8: {  	s21 =	simm.s32 $0x1080;
	s22 =	simm.s32 $0x1900;
	s23 =	simm.s32 $0x1  }
0x9: {  	s24 =	simm.s32 $0x1B80;
	s25 =	simm.s32 $0x1C00;
	s26 =	simm.s32 $0x0  }
0xa: {  	s3 =	sand.u32 $0x1, s2;
	s2 =	simm.s32 $0x0;
	s4 =	sshll.u32 s4, $0x9  }
0xb: {  	s5 =	sshll.u32 s3, $0x8;
	[smem:$0x7FF] =	sst s2;
	s7 =	ssub.s32 $0x2, s3  }
0xc: {  	v0 =	vlaneseq.u32;
	s3 =	sadd.s32 $0x80C00, s0;
	s6 =	sor.u32 s5, s4;
	_ =	strace $0x8000004A  }
0xd: {  	v0 =	vmul.u32 $0x10, v0;
	s4 =	sadd.s32 $0x100C00, s0;
	s31 =	sshrl.u32 s7, $0x1;
	s5 =	sadd.s32 s6, s0  }
0xe: {  	s0 =	ssub.s32 s7, s31;
	s6 =	sadd.s32 s1, s6;
	s1 =	simm.s32 $0x1600  }
0xf: {  	v1 =	vor.u32 $0x100, v0;
	s5 =	sadd.s32 $0x100E00, s5;
	s7 =	smax.u32 s0, $0x1;
	s0 =	simm.s32 $0xD80  }
.LBB2_1:
0x10: {  	[tilespmem:s2], [sflag:$0x2] =	stream.linear.gather [hbm4b:s5+s2], $0x880, $0x38;
	[tilespmem:$0x2400] =	vst v63  }
0x11: {  	_ =	swait.ge [sflag:s8], $0x880  }
0x12: {  	[sflag:s8] =	ssyncset.done $0x0  }
0x13: {  	[sflag:s8] =	ssyncadd.s32 $0xFFFFF780  }
0x14: {  	[tilespmem:s9], [sflag:$0x2] =	stream.linear.gather [hbm4b:s4+s2], $0x200, $0x38;
	[tilespmem:$0x2400] =	vst v63  }
0x15: {  	_ =	swait.ge [sflag:s8], $0x200  }
0x16: {  	[sflag:s8] =	ssyncset.done $0x0  }
0x17: {  	[sflag:s8] =	ssyncadd.s32 $0xFFFFFE00  }
0x18: {  	v2 =	vld.idx.msk [tilespmem:v0+s9+$0x0], $0xffff  }
0x19: {  	v3 =	vld.idx.msk [tilespmem:v1+s9+$0x0], $0xffff;
	_ =	sdelay $0x3  }
0x1a: {  	(xrf2) =	vadd.scan.msk.f32 $0xffff, v2  }
0x1b: {  	(xrf2) =	vadd.scan.msk.f32 $0xffff, v3;
	_ =	sdelay $0x8  }
0x1c: {  	v4, _, _ =	vpop (xrf2)  }
0x1d: {  	v5, _, _ =	vpop (xrf2)  }
0x1e: {  	v63 =	vbroadcast v4, $0xF;
	v3 =	vsub.f32 v5, v3  }
0x1f: {  	v2 =	vsub.f32 v4, v2  }
0x20: {  	v3 =	vadd.f32 v3, v63  }
0x21: {  	[tilespmem:$0x1B80] =	vst v2  }
0x22: {  	s28 =	simm.s32 $0x0;
	[tilespmem:$0x1B90] =	vst v3  }
0x23: {  	s29 =	simm.s32 $0x40;
	v2 =	vld [tilespmem:s28+$0x0]  }
.LBB2_2:
0x24: {  	_ =	sdelay $0x1  }
0x25: {  	p0 =	sne.s32 s29, $0x21C0  }
.Ltmp0:
0x26: {  	_ = 	snop;
	(pc) =	sbr.rel @p0 .LBB2_2-.Ltmp0, $4  }
0x27: {  	v3 =	vadd.s32 $0xFFFFFFFF, v2  }
0x28: {  	vm0 =	vgt.s32 v3, $0x0  }
0x29: {  	s30 =	sshra.s32 s29, $0x2;
	v3 =	vnsel vm0, $0x0, v3  }
0x2a: {  	s29 =	sadd.s32 $0x40, s29;
	v2 =	vld [tilespmem:s30+$0x0];
	[tilespmem:s28+$0x880] =	vst v3;
	s28 =	smov.u32 s30  }
0x2b: {  	_ =	sdelay $0x3  }
0x2c: {  	v2 =	vadd.s32 $0xFFFFFFFF, v2  }
0x2d: {  	vm0 =	vgt.s32 v2, $0x0  }
0x2e: {  	v2 =	vnsel vm0, $0x0, v2  }
0x2f: {  	s29 =	simm.s32 $0x1100;
	[tilespmem:s28+$0x880] =	vst v2;
	s28 =	simm.s32 $0x880  }
0x30: {  	[tilespmem:s29], [sflag:$0x1] =	stream.indirect.gather [hbm4b:s3+s10], $0x1, s28, s10, $0xb8;
	[tilespmem:$0x2400] =	vst v63  }
0x31: {  	s28 =	simm.s32 $0x900;
	s29 =	simm.s32 $0x1180  }
0x32: {  	[tilespmem:s29], [sflag:$0x1] =	stream.indirect.gather [hbm4b:s3+s10], $0x1, s28, s10, $0xb8;
	[tilespmem:$0x2400] =	vst v63  }
0x33: {  	s28 =	simm.s32 $0x980;
	s29 =	simm.s32 $0x1200  }
0x34: {  	[tilespmem:s29], [sflag:$0x1] =	stream.indirect.gather [hbm4b:s3+s10], $0x1, s28, s10, $0xb8;
	[tilespmem:$0x2400] =	vst v63  }
0x35: {  	s28 =	simm.s32 $0xA00;
	s29 =	simm.s32 $0x1280  }
0x36: {  	[tilespmem:s29], [sflag:$0x1] =	stream.indirect.gather [hbm4b:s3+s10], $0x1, s28, s10, $0xb8;
	[tilespmem:$0x2400] =	vst v63  }
0x37: {  	s28 =	simm.s32 $0xA80;
	s29 =	simm.s32 $0x1300  }
0x38: {  	[tilespmem:s29], [sflag:$0x1] =	stream.indirect.gather [hbm4b:s3+s10], $0x1, s28, s10, $0xb8;
	[tilespmem:$0x2400] =	vst v63  }
0x39: {  	s28 =	simm.s32 $0xB00;
	s29 =	simm.s32 $0x1380  }
0x3a: {  	[tilespmem:s29], [sflag:$0x1] =	stream.indirect.gather [hbm4b:s3+s10], $0x1, s28, s10, $0xb8;
	[tilespmem:$0x2400] =	vst v63  }
0x3b: {  	s28 =	simm.s32 $0xB80;
	s29 =	simm.s32 $0x1400  }
0x3c: {  	[tilespmem:s29], [sflag:$0x1] =	stream.indirect.gather [hbm4b:s3+s10], $0x1, s28, s10, $0xb8;
	[tilespmem:$0x2400] =	vst v63  }
0x3d: {  	s28 =	simm.s32 $0xC00;
	s29 =	simm.s32 $0x1480  }
0x3e: {  	[tilespmem:s29], [sflag:$0x1] =	stream.indirect.gather [hbm4b:s3+s10], $0x1, s28, s10, $0xb8;
	[tilespmem:$0x2400] =	vst v63  }
0x3f: {  	s28 =	simm.s32 $0xC80;
	s29 =	simm.s32 $0x1500  }
0x40: {  	[tilespmem:s29], [sflag:$0x1] =	stream.indirect.gather [hbm4b:s3+s10], $0x1, s28, s10, $0xb8;
	[tilespmem:$0x2400] =	vst v63  }
0x41: {  	s28 =	simm.s32 $0xD00;
	s29 =	simm.s32 $0x1580  }
0x42: {  	[tilespmem:s29], [sflag:$0x1] =	stream.indirect.gather [hbm4b:s3+s10], $0x1, s28, s10, $0xb8;
	[tilespmem:$0x2400] =	vst v63  }
0x43: {  	_ = 	snop  }
0x44: {  	[tilespmem:s1], [sflag:$0x1] =	stream.indirect.gather [hbm4b:s3+s10], $0x1, s0, s10, $0xb8;
	[tilespmem:$0x2400] =	vst v63  }
0x45: {  	_ = 	snop  }
0x46: {  	[tilespmem:s12], [sflag:$0x1] =	stream.indirect.gather [hbm4b:s3+s10], $0x1, s11, s10, $0xb8;
	[tilespmem:$0x2400] =	vst v63  }
0x47: {  	_ = 	snop  }
0x48: {  	[tilespmem:s14], [sflag:$0x1] =	stream.indirect.gather [hbm4b:s3+s10], $0x1, s13, s10, $0xb8;
	[tilespmem:$0x2400] =	vst v63  }
0x49: {  	_ = 	snop  }
0x4a: {  	[tilespmem:s16], [sflag:$0x1] =	stream.indirect.gather [hbm4b:s3+s10], $0x1, s15, s10, $0xb8;
	[tilespmem:$0x2400] =	vst v63  }
0x4b: {  	_ = 	snop  }
0x4c: {  	[tilespmem:s18], [sflag:$0x1] =	stream.indirect.gather [hbm4b:s3+s10], $0x1, s17, s10, $0xb8;
	[tilespmem:$0x2400] =	vst v63  }
0x4d: {  	_ = 	snop  }
0x4e: {  	[tilespmem:s20], [sflag:$0x1] =	stream.indirect.gather [hbm4b:s3+s10], $0x1, s19, s10, $0xb8;
	[tilespmem:$0x2400] =	vst v63  }
0x4f: {  	_ = 	snop  }
0x50: {  	[tilespmem:s22], [sflag:$0x1] =	stream.indirect.gather [hbm4b:s3+s10], $0x1, s21, s10, $0xb8;
	[tilespmem:$0x2400] =	vst v63  }
0x51: {  	_ =	swait.ge [sflag:s23], $0x80  }
0x52: {  	[sflag:s23] =	ssyncset.done $0x0  }
0x53: {  	[sflag:s23] =	ssyncadd.s32 $0xFFFFFF80  }
0x54: {  	_ =	swait.ge [sflag:s23], $0x80  }
0x55: {  	[sflag:s23] =	ssyncset.done $0x0  }
0x56: {  	[sflag:s23] =	ssyncadd.s32 $0xFFFFFF80  }
0x57: {  	_ =	swait.ge [sflag:s23], $0x80  }
0x58: {  	[sflag:s23] =	ssyncset.done $0x0  }
0x59: {  	[sflag:s23] =	ssyncadd.s32 $0xFFFFFF80  }
0x5a: {  	_ =	swait.ge [sflag:s23], $0x80  }
0x5b: {  	[sflag:s23] =	ssyncset.done $0x0  }
0x5c: {  	[sflag:s23] =	ssyncadd.s32 $0xFFFFFF80  }
0x5d: {  	_ =	swait.ge [sflag:s23], $0x80  }
0x5e: {  	[sflag:s23] =	ssyncset.done $0x0  }
0x5f: {  	[sflag:s23] =	ssyncadd.s32 $0xFFFFFF80  }
0x60: {  	_ =	swait.ge [sflag:s23], $0x80  }
0x61: {  	[sflag:s23] =	ssyncset.done $0x0  }
0x62: {  	[sflag:s23] =	ssyncadd.s32 $0xFFFFFF80  }
0x63: {  	_ =	swait.ge [sflag:s23], $0x80  }
0x64: {  	[sflag:s23] =	ssyncset.done $0x0  }
0x65: {  	[sflag:s23] =	ssyncadd.s32 $0xFFFFFF80  }
0x66: {  	_ =	swait.ge [sflag:s23], $0x80  }
0x67: {  	[sflag:s23] =	ssyncset.done $0x0  }
0x68: {  	[sflag:s23] =	ssyncadd.s32 $0xFFFFFF80  }
0x69: {  	_ =	swait.ge [sflag:s23], $0x80  }
0x6a: {  	[sflag:s23] =	ssyncset.done $0x0  }
0x6b: {  	[sflag:s23] =	ssyncadd.s32 $0xFFFFFF80  }
0x6c: {  	_ =	swait.ge [sflag:s23], $0x80  }
0x6d: {  	[sflag:s23] =	ssyncset.done $0x0  }
0x6e: {  	[sflag:s23] =	ssyncadd.s32 $0xFFFFFF80  }
0x6f: {  	_ =	swait.ge [sflag:s23], $0x80  }
0x70: {  	[sflag:s23] =	ssyncset.done $0x0  }
0x71: {  	[sflag:s23] =	ssyncadd.s32 $0xFFFFFF80  }
0x72: {  	_ =	swait.ge [sflag:s23], $0x80  }
0x73: {  	[sflag:s23] =	ssyncset.done $0x0  }
0x74: {  	[sflag:s23] =	ssyncadd.s32 $0xFFFFFF80  }
0x75: {  	_ =	swait.ge [sflag:s23], $0x80  }
0x76: {  	[sflag:s23] =	ssyncset.done $0x0  }
0x77: {  	[sflag:s23] =	ssyncadd.s32 $0xFFFFFF80  }
0x78: {  	_ =	swait.ge [sflag:s23], $0x80  }
0x79: {  	[sflag:s23] =	ssyncset.done $0x0  }
0x7a: {  	[sflag:s23] =	ssyncadd.s32 $0xFFFFFF80  }
0x7b: {  	_ =	swait.ge [sflag:s23], $0x80  }
0x7c: {  	[sflag:s23] =	ssyncset.done $0x0  }
0x7d: {  	[sflag:s23] =	ssyncadd.s32 $0xFFFFFF80  }
0x7e: {  	_ =	swait.ge [sflag:s23], $0x80  }
0x7f: {  	[sflag:s23] =	ssyncset.done $0x0  }
0x80: {  	[sflag:s23] =	ssyncadd.s32 $0xFFFFFF80  }
0x81: {  	_ =	swait.ge [sflag:s23], $0x80  }
0x82: {  	[sflag:s23] =	ssyncset.done $0x0  }
0x83: {  	s29 =	simm.s32 $0x0;
	[sflag:s23] =	ssyncadd.s32 $0xFFFFFF80  }
0x84: {  	v3 =	vld [tilespmem:s29+$0x0];
	_ =	sdelay $0x2  }
0x85: {  	v2 =	vld [tilespmem:s29+$0x1];
	_ =	sdelay $0x1  }
0x86: {  	v4 =	vadd.s32 $0xFFFFFFFF, v3  }
0x87: {  	vm14 =	vgt.s32 v4, $0x0  }
0x88: {  	v4 =	vnsel vm14, $0x0, v4  }
0x89: {  	v7 =	vshrl.u32 v4, $0x11;
	v4 =	vadd.s32 $0xFFFFFFFF, v2  }
0x8a: {  	vm15 =	vgt.s32 v4, $0x0  }
0x8b: {  	v8 =	vnsel vm15, $0x0, v4  }
0x8c: {  	v8 =	vshrl.u32 v8, $0x11  }
0x8d: {  	s28 =	simm.s32 $0x10;
	v6 =	vld [tilespmem:s29+$0x1100]  }
0x8e: {  	v5 =	vld [tilespmem:s28+$0x0]  }
0x8f: {  	v4 =	vld [tilespmem:s28+$0x1]  }
0x90: {  	s30 =	simm.s32 $0x80;
	v7 =	vld.idx.msk [tilespmem:v7+s24+$0x0], $0xffff  }
.LBB2_4:
0x91: {  	p0 =	sne.s32 s30, $0x1FC0;
	v8 =	vld.idx.msk [tilespmem:v8+s24+$0x0], $0xffff  }
0x92: {  	v9 =	vld [tilespmem:s29+$0x1101];
	_ =	sdelay $0x2  }
0x93: {  	v10 =	vadd.s32 $0xFFFFFFFF, v5;
	v11 =	vadd.s32 $0xFFFFFFFF, v4  }
0x94: {  	vm2 =	vgt.s32 v3, $0x0;
	v3 =	vmovc v5;
	vm0 =	vgt.s32 v10, $0x0;
	vm1 =	vgt.s32 v11, $0x0  }
0x95: {  	v5 =	vnsel vm0, $0x0, v10;
	v6 =	vadd.f32 v7, v6;
	v7 =	vadd.f32 v8, v9  }
0x96: {  	vm0 =	vgt.s32 v2, $0x0;
	v2 =	vmovc v4;
	v8 =	vnsel vm1, $0x0, v11;
	v9 =	vshrl.u32 v5, $0x11  }
.Ltmp1:
0x97: {  	v4 =	vnsel vm2, $0x0, v6;
	v8 =	vshrl.u32 v8, $0x11;
	v5 =	vnsel vm0, $0x0, v7;
	(pc) =	sbr.rel @p0 .LBB2_4-.Ltmp1, $4  }
0x98: {  	s31 =	sshra.s32 s30, $0x2;
	v6 =	vld [tilespmem:s28+$0x1100];
	v7 =	vsub.f32 v5, v4  }
0x99: {  	v5 =	vld [tilespmem:s31+$0x0]  }
0x9a: {  	v4 =	vld [tilespmem:s31+$0x1];
	[tilespmem:s29+$0x1C00] =	vst v7;
	s29 =	smov.u32 s28;
	s28 =	smov.u32 s31  }
0x9b: {  	s30 =	sadd.s32 $0x40, s30;
	v7 =	vld.idx.msk [tilespmem:v9+s24+$0x0], $0xffff  }
0x9c: {  	_ =	sdelay $0x3  }
0x9d: {  	v8 =	vld.idx.msk [tilespmem:v8+s24+$0x0], $0xffff  }
0x9e: {  	v9 =	vld [tilespmem:s29+$0x1101];
	_ =	sdelay $0x2  }
0x9f: {  	v10 =	vadd.s32 $0xFFFFFFFF, v5;
	v11 =	vadd.s32 $0xFFFFFFFF, v4  }
0xa0: {  	vm2 =	vgt.s32 v3, $0x0;
	vm0 =	vgt.s32 v10, $0x0;
	vm1 =	vgt.s32 v11, $0x0  }
0xa1: {  	v3 =	vnsel vm0, $0x0, v10;
	v6 =	vadd.f32 v7, v6;
	v61 =	vadd.f32 v8, v9  }
0xa2: {  	vm13 =	vgt.s32 v2, $0x0;
	v62 =	vnsel vm1, $0x0, v11;
	v3 =	vshrl.u32 v3, $0x11  }
0xa3: {  	v2 =	vshrl.u32 v62, $0x11;
	v6 =	vnsel vm2, $0x0, v6;
	v7 =	vnsel vm13, $0x0, v61  }
0xa4: {  	v6 =	vsub.f32 v7, v6;
	_ =	sdelay $0x1  }
0xa5: {  	v63 =	vld [tilespmem:s28+$0x1100];
	[tilespmem:s29+$0x1C00] =	vst v6  }
0xa6: {  	v3 =	vld.idx.msk [tilespmem:v3+s24+$0x0], $0xffff  }
0xa7: {  	v2 =	vld.idx.msk [tilespmem:v2+s24+$0x0], $0xffff  }
0xa8: {  	v6 =	vld [tilespmem:s28+$0x1101];
	_ =	sdelay $0x4  }
0xa9: {  	v3 =	vadd.f32 v3, v63;
	v2 =	vadd.f32 v2, v6  }
0xaa: {  	vm14 =	vgt.s32 v5, $0x0;
	vm15 =	vgt.s32 v4, $0x0  }
0xab: {  	v3 =	vnsel vm14, $0x0, v3;
	v2 =	vnsel vm15, $0x0, v2  }
0xac: {  	s26 =	sadd.s32 $0x1, s26;
	v2 =	vsub.f32 v2, v3  }
0xad: {  	p0 =	sne.s32 s26, s7  }
.Ltmp2:
0xae: {  	[tilespmem:s28+$0x1C00] =	vst v2;
	(pc) =	sbr.rel @p0 .LBB2_1-.Ltmp2, $4  }
0xaf: {  	[hbm4b:s6+s2] =	stream.linear.scatter [tilespmem:s25], [sflag:$0x2], $0x800, $0x38;
	[tilespmem:$0x2400] =	vst v63  }
0xb0: {  	_ =	swait.ge [sflag:s8], $0x800  }
0xb1: {  	[sflag:s8] =	ssyncset.done $0x0  }
0xb2: {  	[sflag:s8] =	ssyncadd.s32 $0xFFFFF800  }
0xb3: {  	_ =	sfence.sel $0x180000  }
0xb4: {  	[bflag:$0x0] =	sbarrier.arrive $0xFFFF  }
0xb5: {  	_ =	strace $0x9000004A  }
0xb6: {  	s0 =	stileid.u32;
	[bflag:$0x2] =	sbarrier.arrive $0xFFFF  }
0xb7: {  	p0 =	sne.s32 s0, $0x0;
	s0 =	rddreg [dreg:$0x2]  }
0xb8: {  	s0 =	sadd.s32 @!p0 $0x100000, s0  }
0xb9: {  	[sflag:s0] =	ssyncadd.tile.s32 @!p0 $0x1;
	_ =	shalt  }
.Lfunc_end2:
_tile_overlayer_lowered:
.L_overlay_start_2:
0xba: {  	(tag) =	ssettag $0x2  }
0xbb: {  	s0 =	rddreg [dreg:$0x0];
	s2 =	stileid.u32  }
0xbc: {  	s1 =	rddreg [dreg:$0x1];
	p0 =	sne.s32 s2, $0x0  }
0xbd: {  	s3 =	rddreg [dreg:$0x2];
	[bflag:$0x3] =	sbarrier.arrive $0xFFFF;
	s2 =	simm.s32 @!p0 $0x1C02  }
0xbe: {  	[timem:s3], [sflag:s2] =	dma.local @!p0 [hbm:s0], s1  }
0xbf: {  	s0 =	simm.s32 @!p0 $0x2  }
0xc0: {  	_ =	swait.ge @!p0 [sflag:s0], s1  }
0xc1: {  	s1 =	ssub.s32 @!p0 $0x0, s1;
	[sflag:s0] =	ssyncset.done @!p0 $0x0  }
0xc2: {  	[sflag:s0] =	ssyncadd.s32 @!p0 s1  }
0xc3: {  	[bflag:$0x3] =	sbarrier.arrive $0xFFFF  }
0xc4: {  	_ =	shalt  }

</sc_bundles>
